<compile_context>
chip_gen: v7x
topology: tpu7x:2x2x1
jax: 0.10.2.dev20260603
libtpu: 0.0.44.dev20260713+nightly
codegen_flags: <defaults>
</compile_context>

<pallas_src>
import functools

import jax
import jax.numpy as jnp
from jax import lax
from jax.experimental import pallas as pl
from jax.experimental.pallas import tpu as pltpu
from jax.experimental.pallas import tpu_sc as plsc
from jax.experimental.layout import Layout, with_layout_constraint

VOCAB = 1000000
DIM = 64
BATCH = 16384
HIST = 200

_NC = 2
_NS = 16
_NW = _NC * _NS

_BT = BATCH * HIST
_ROWS_PER_W = BATCH // _NW
_R = 4
_CHUNK = _R * HIST
_STEPS = _ROWS_PER_W // _R
_PAIRS = _STEPS // 2


def _make_gather():
    mesh = plsc.VectorSubcoreMesh(core_axis_name="c", subcore_axis_name="s")

    @functools.partial(
        pl.kernel,
        mesh=mesh,
        out_type=jax.ShapeDtypeStruct((BATCH, HIST, DIM), jnp.float32),
        scratch_types=[
            pltpu.VMEM((_CHUNK,), jnp.int32),
            pltpu.VMEM((_CHUNK,), jnp.int32),
            pltpu.VMEM((_CHUNK, DIM), jnp.float32),
            pltpu.VMEM((_CHUNK, DIM), jnp.float32),
            pltpu.SemaphoreType.DMA,
            pltpu.SemaphoreType.DMA,
            pltpu.SemaphoreType.DMA,
            pltpu.SemaphoreType.DMA,
        ],
        compiler_params=pltpu.CompilerParams(use_tc_tiling_on_sc=False),
    )
    def gather_kernel(idx_hbm, table_hbm, out_hbm,
                      idx0, idx1, rows0, rows1,
                      semg0, semg1, sems0, sems1):
        wid = lax.axis_index("s") * _NC + lax.axis_index("c")
        row_base = wid * _ROWS_PER_W
        idx = (idx0, idx1)
        rows = (rows0, rows1)
        semg = (semg0, semg1)
        sems = (sems0, sems1)

        def issue_gather(c, b):
            off = (row_base + c * _R) * HIST
            pltpu.sync_copy(idx_hbm.at[pl.ds(off, _CHUNK)], idx[b])
            pltpu.async_copy(table_hbm.at[idx[b]], rows[b], semg[b])

        def issue_stores(c, b):
            r0 = row_base + c * _R
            for k in range(_R):
                pltpu.async_copy(rows[b].at[pl.ds(k * HIST, HIST)],
                                 out_hbm.at[r0 + k], sems[b])

        def wait_stores(c, b):
            r0 = row_base + c * _R
            for k in range(_R):
                pltpu.make_async_copy(rows[b].at[pl.ds(k * HIST, HIST)],
                                      out_hbm.at[r0 + k], sems[b]).wait()

        issue_gather(0, 0)
        issue_gather(1, 1)

        def pair(p, carry):
            for b in range(2):
                c = 2 * p + b
                pltpu.make_async_copy(table_hbm.at[idx[b]], rows[b],
                                      semg[b]).wait()
                issue_stores(c, b)

                @pl.when(p < _PAIRS - 1)
                def _():
                    wait_stores(c, b)
                    issue_gather(c + 2, b)

            return carry

        lax.fori_loop(0, _PAIRS, pair, 0)

        wait_stores(_STEPS - 2, 0)
        wait_stores(_STEPS - 1, 1)

    return gather_kernel


_gather = _make_gather()


def kernel(x, table):
    out = _gather(x.reshape(_BT).astype(jnp.int32), table)
    out = with_layout_constraint(out, Layout((0, 1, 2), tiling=()))
    return out * 1.0

# --- scband reference (transcript-rebuilt; emitter-appended) ---
"""Pipeline reference for scband-gene-encoder-14293651161480 (READ-ONLY COPY).

The authoritative reference and input builder live on the scoring server;
editing this copy changes nothing except your own understanding.
"""

import jax, jax.numpy as jnp
import numpy as np

VOCAB = 1000000
DIM = 64
BATCH = 16384
HIST = 200

def setup_inputs(seed: int = 0) -> dict:
    key = jax.random.key(seed)
    k1, k2 = jax.random.split(key)
    x = jax.random.randint(k1, (BATCH, HIST), 0, VOCAB, dtype=jnp.int64 if jax.config.jax_enable_x64 else jnp.int32)
    table = jax.random.normal(k2, (VOCAB, DIM), dtype=jnp.float32) * 0.02
    return {"x": x, "table": table}

def reference(x, table):
    # GeneEncoder with default config: only trainable primary nn.Embedding,
    # single embedding type so the combination module is a passthrough,
    # use_norm=False so no LayerNorm is applied.
    emb = jnp.take(table, x, axis=0)  # [B, L, D]
    return emb

if __name__ == "__main__":
    import jax
    _d = setup_inputs()
    print(jax.jit(kernel)(*tuple(_d.values())))

</pallas_src>

<mosaic_0001>
#map = affine_map<(d0, d1) -> (0)>
#map1 = affine_map<(d0, d1) -> (0, 0)>
#map2 = affine_map<(d0, d1) -> (0, 0, 0)>
module attributes {stable_mosaic.version = 14 : i64} {
  func.func @gather_kernel(%arg0: i32, %arg1: i32, %arg2: memref<3276800xi32, #tpu.memory_space<hbm>>, %arg3: memref<1000000x64xf32, #tpu.memory_space<hbm>>, %arg4: memref<16384x200x64xf32, #tpu.memory_space<hbm>>, %arg5: memref<800xi32, #tpu.memory_space<vmem>>, %arg6: memref<800xi32, #tpu.memory_space<vmem>>, %arg7: memref<800x64xf32, #tpu.memory_space<vmem>>, %arg8: memref<800x64xf32, #tpu.memory_space<vmem>>, %arg9: memref<!tpu.dma_semaphore, #tpu.memory_space<semaphore_mem>>, %arg10: memref<!tpu.dma_semaphore, #tpu.memory_space<semaphore_mem>>, %arg11: memref<!tpu.dma_semaphore, #tpu.memory_space<semaphore_mem>>, %arg12: memref<!tpu.dma_semaphore, #tpu.memory_space<semaphore_mem>>) attributes {dimension_semantics = [#tpu.dimension_semantics<core_parallel>, #tpu.dimension_semantics<subcore_parallel>], iteration_bounds = array<i64: 2, 16>, scalar_prefetch = 0 : i64, scratch_operands = 8 : i64, tpu.core_type = #tpu.core_type<sc_vector_subcore>, window_params = [{transform_indices = #map}, {transform_indices = #map1}, {transform_indices = #map2}]} {
    %mul3A = arith.constant 2 : i32
    %mul3A_0 = arith.muli %arg1, %mul3A : i32
    %add3A = arith.addi %mul3A_0, %arg0 : i32
    %mul3A_1 = arith.constant 512 : i32
    %mul3A_2 = arith.muli %add3A, %mul3A_1 : i32
    %add3A_3 = arith.constant 0 : i32
    %add3A_4 = arith.addi %mul3A_2, %add3A_3 : i32
    %mul3A_5 = arith.constant 200 : i32
    %mul3A_6 = arith.muli %add3A_4, %mul3A_5 : i32
    "tpu.region"() ({
      %run_scoped3A = tpu.sem_alloc : memref<!tpu.dma_semaphore, #tpu.memory_space<semaphore_mem>>
      %dma_start3A_152 = tpu.memref_slice %arg2[%mul3A_6] : memref<3276800xi32, #tpu.memory_space<hbm>> -> memref<800xi32, #tpu.memory_space<hbm>>
      %dma_start3A_153 = tpu.memref_slice %arg2[%mul3A_6] : memref<3276800xi32, #tpu.memory_space<hbm>> -> memref<800xi32, #tpu.memory_space<hbm>>
      tpu.enqueue_dma source(%dma_start3A_153 : memref<800xi32, #tpu.memory_space<hbm>>) target(%arg5 : memref<800xi32, #tpu.memory_space<vmem>>) target_semaphore(%run_scoped3A : memref<!tpu.dma_semaphore, #tpu.memory_space<semaphore_mem>>)
      %dma_wait3A_154 = tpu.memref_slice %arg2[%mul3A_6] : memref<3276800xi32, #tpu.memory_space<hbm>> -> memref<800xi32, #tpu.memory_space<hbm>>
      %dma_wait3A_155 = tpu.memref_slice %arg2[%mul3A_6] : memref<3276800xi32, #tpu.memory_space<hbm>> -> memref<800xi32, #tpu.memory_space<hbm>>
      tpu.wait_dma2 semaphore(%run_scoped3A : memref<!tpu.dma_semaphore, #tpu.memory_space<semaphore_mem>>) src(%dma_wait3A_155 : memref<800xi32, #tpu.memory_space<hbm>>) dst(%arg5 : memref<800xi32, #tpu.memory_space<vmem>>)
      tpu.yield
    }) : () -> ()
    %dma_start3A = arith.constant 0 : i32
    %dma_start3A_7 = arith.constant 0 : i32
    %dma_start3A_8 = tpu.memref_slice %arg3[%dma_start3A, %dma_start3A_7] : memref<1000000x64xf32, #tpu.memory_space<hbm>> -> memref<1000000x64xf32, #tpu.memory_space<hbm>>
    tpu.enqueue_indirect_dma source(%dma_start3A_8 : memref<1000000x64xf32, #tpu.memory_space<hbm>>) target(%arg7 : memref<800x64xf32, #tpu.memory_space<vmem>>) offsets(%arg5 : memref<800xi32, #tpu.memory_space<vmem>>) semaphore(%arg9 : memref<!tpu.dma_semaphore, #tpu.memory_space<semaphore_mem>>)
    %add3A_9 = arith.constant 4 : i32
    %add3A_10 = arith.addi %mul3A_2, %add3A_9 : i32
    %mul3A_11 = arith.constant 200 : i32
    %mul3A_12 = arith.muli %add3A_10, %mul3A_11 : i32
    "tpu.region"() ({
      %run_scoped3A = tpu.sem_alloc : memref<!tpu.dma_semaphore, #tpu.memory_space<semaphore_mem>>
      %dma_start3A_152 = tpu.memref_slice %arg2[%mul3A_12] : memref<3276800xi32, #tpu.memory_space<hbm>> -> memref<800xi32, #tpu.memory_space<hbm>>
      %dma_start3A_153 = tpu.memref_slice %arg2[%mul3A_12] : memref<3276800xi32, #tpu.memory_space<hbm>> -> memref<800xi32, #tpu.memory_space<hbm>>
      tpu.enqueue_dma source(%dma_start3A_153 : memref<800xi32, #tpu.memory_space<hbm>>) target(%arg6 : memref<800xi32, #tpu.memory_space<vmem>>) target_semaphore(%run_scoped3A : memref<!tpu.dma_semaphore, #tpu.memory_space<semaphore_mem>>)
      %dma_wait3A_154 = tpu.memref_slice %arg2[%mul3A_12] : memref<3276800xi32, #tpu.memory_space<hbm>> -> memref<800xi32, #tpu.memory_space<hbm>>
      %dma_wait3A_155 = tpu.memref_slice %arg2[%mul3A_12] : memref<3276800xi32, #tpu.memory_space<hbm>> -> memref<800xi32, #tpu.memory_space<hbm>>
      tpu.wait_dma2 semaphore(%run_scoped3A : memref<!tpu.dma_semaphore, #tpu.memory_space<semaphore_mem>>) src(%dma_wait3A_155 : memref<800xi32, #tpu.memory_space<hbm>>) dst(%arg6 : memref<800xi32, #tpu.memory_space<vmem>>)
      tpu.yield
    }) : () -> ()
    %dma_start3A_13 = arith.constant 0 : i32
    %dma_start3A_14 = arith.constant 0 : i32
    %dma_start3A_15 = tpu.memref_slice %arg3[%dma_start3A_13, %dma_start3A_14] : memref<1000000x64xf32, #tpu.memory_space<hbm>> -> memref<1000000x64xf32, #tpu.memory_space<hbm>>
    tpu.enqueue_indirect_dma source(%dma_start3A_15 : memref<1000000x64xf32, #tpu.memory_space<hbm>>) target(%arg8 : memref<800x64xf32, #tpu.memory_space<vmem>>) offsets(%arg6 : memref<800xi32, #tpu.memory_space<vmem>>) semaphore(%arg10 : memref<!tpu.dma_semaphore, #tpu.memory_space<semaphore_mem>>)
    %scan3A = arith.constant 0 : i32
    %scan3A_16 = arith.constant 0 : i32
    %scan3A_17 = arith.constant 64 : i32
    %scan3A_18 = arith.addi %scan3A_16, %scan3A_17 : i32
    %scan3A_19 = arith.constant 1 : i32
    scf.for %scan3A_152 = %scan3A_16 to %scan3A_18 step %scan3A_19  : i32 {
      %mul3A_153 = arith.constant 2 : i32
      %mul3A_154 = arith.muli %mul3A_153, %scan3A_152 : i32
      %add3A_155 = arith.constant 0 : i32
      %add3A_156 = arith.addi %mul3A_154, %add3A_155 : i32
      %dma_wait3A_157 = arith.constant 0 : i32
      %dma_wait3A_158 = arith.constant 0 : i32
      %dma_wait3A_159 = tpu.memref_slice %arg3[%dma_wait3A_157, %dma_wait3A_158] : memref<1000000x64xf32, #tpu.memory_space<hbm>> -> memref<1000000x64xf32, #tpu.memory_space<hbm>>
      tpu.wait_indirect_dma semaphore(%arg9 : memref<!tpu.dma_semaphore, #tpu.memory_space<semaphore_mem>>) src(%dma_wait3A_159 : memref<1000000x64xf32, #tpu.memory_space<hbm>>) dst(%arg7 : memref<800x64xf32, #tpu.memory_space<vmem>>)
      %mul3A_160 = arith.constant 4 : i32
      %mul3A_161 = arith.muli %add3A_156, %mul3A_160 : i32
      %add3A_162 = arith.addi %mul3A_2, %mul3A_161 : i32
      %add3A_163 = arith.constant 0 : i32
      %add3A_164 = arith.addi %add3A_162, %add3A_163 : i32
      %dma_start3A_165 = arith.constant 0 : i32
      %dma_start3A_166 = arith.constant 0 : i32
      %dma_start3A_167 = tpu.memref_slice %arg7[%dma_start3A_165, %dma_start3A_166] : memref<800x64xf32, #tpu.memory_space<vmem>> -> memref<200x64xf32, #tpu.memory_space<vmem>>
      %dma_start3A_168 = arith.constant 0 : i32
      %dma_start3A_169 = arith.constant 0 : i32
      %dma_start3A_170 = tpu.memref_slice %arg4[%add3A_164, %dma_start3A_168, %dma_start3A_169] : memref<16384x200x64xf32, #tpu.memory_space<hbm>> -> memref<1x200x64xf32, #tpu.memory_space<hbm>>
      %dma_start3A_171 = tpu.memref_squeeze %dma_start3A_170 : memref<1x200x64xf32, #tpu.memory_space<hbm>> -> memref<200x64xf32, #tpu.memory_space<hbm>>
      %dma_start3A_172 = arith.constant 0 : i32
      %dma_start3A_173 = arith.constant 0 : i32
      %dma_start3A_174 = tpu.memref_slice %arg4[%add3A_164, %dma_start3A_172, %dma_start3A_173] : memref<16384x200x64xf32, #tpu.memory_space<hbm>> -> memref<1x200x64xf32, #tpu.memory_space<hbm>>
      %dma_start3A_175 = tpu.memref_squeeze %dma_start3A_174 : memref<1x200x64xf32, #tpu.memory_space<hbm>> -> memref<200x64xf32, #tpu.memory_space<hbm>>
      %dma_start3A_176 = arith.constant 0 : i32
      %dma_start3A_177 = arith.constant 0 : i32
      %dma_start3A_178 = tpu.memref_slice %arg7[%dma_start3A_176, %dma_start3A_177] : memref<800x64xf32, #tpu.memory_space<vmem>> -> memref<200x64xf32, #tpu.memory_space<vmem>>
      tpu.enqueue_dma source(%dma_start3A_178 : memref<200x64xf32, #tpu.memory_space<vmem>>) target(%dma_start3A_175 : memref<200x64xf32, #tpu.memory_space<hbm>>) target_semaphore(%arg11 : memref<!tpu.dma_semaphore, #tpu.memory_space<semaphore_mem>>)
      %add3A_179 = arith.constant 1 : i32
      %add3A_180 = arith.addi %add3A_162, %add3A_179 : i32
      %dma_start3A_181 = arith.constant 200 : i32
      %dma_start3A_182 = arith.constant 0 : i32
      %dma_start3A_183 = tpu.memref_slice %arg7[%dma_start3A_181, %dma_start3A_182] : memref<800x64xf32, #tpu.memory_space<vmem>> -> memref<200x64xf32, #tpu.memory_space<vmem>>
      %dma_start3A_184 = arith.constant 0 : i32
      %dma_start3A_185 = arith.constant 0 : i32
      %dma_start3A_186 = tpu.memref_slice %arg4[%add3A_180, %dma_start3A_184, %dma_start3A_185] : memref<16384x200x64xf32, #tpu.memory_space<hbm>> -> memref<1x200x64xf32, #tpu.memory_space<hbm>>
      %dma_start3A_187 = tpu.memref_squeeze %dma_start3A_186 : memref<1x200x64xf32, #tpu.memory_space<hbm>> -> memref<200x64xf32, #tpu.memory_space<hbm>>
      %dma_start3A_188 = arith.constant 0 : i32
      %dma_start3A_189 = arith.constant 0 : i32
      %dma_start3A_190 = tpu.memref_slice %arg4[%add3A_180, %dma_start3A_188, %dma_start3A_189] : memref<16384x200x64xf32, #tpu.memory_space<hbm>> -> memref<1x200x64xf32, #tpu.memory_space<hbm>>
      %dma_start3A_191 = tpu.memref_squeeze %dma_start3A_190 : memref<1x200x64xf32, #tpu.memory_space<hbm>> -> memref<200x64xf32, #tpu.memory_space<hbm>>
      %dma_start3A_192 = arith.constant 200 : i32
      %dma_start3A_193 = arith.constant 0 : i32
      %dma_start3A_194 = tpu.memref_slice %arg7[%dma_start3A_192, %dma_start3A_193] : memref<800x64xf32, #tpu.memory_space<vmem>> -> memref<200x64xf32, #tpu.memory_space<vmem>>
      tpu.enqueue_dma source(%dma_start3A_194 : memref<200x64xf32, #tpu.memory_space<vmem>>) target(%dma_start3A_191 : memref<200x64xf32, #tpu.memory_space<hbm>>) target_semaphore(%arg11 : memref<!tpu.dma_semaphore, #tpu.memory_space<semaphore_mem>>)
      %add3A_195 = arith.constant 2 : i32
      %add3A_196 = arith.addi %add3A_162, %add3A_195 : i32
      %dma_start3A_197 = arith.constant 400 : i32
      %dma_start3A_198 = arith.constant 0 : i32
      %dma_start3A_199 = tpu.memref_slice %arg7[%dma_start3A_197, %dma_start3A_198] : memref<800x64xf32, #tpu.memory_space<vmem>> -> memref<200x64xf32, #tpu.memory_space<vmem>>
      %dma_start3A_200 = arith.constant 0 : i32
      %dma_start3A_201 = arith.constant 0 : i32
      %dma_start3A_202 = tpu.memref_slice %arg4[%add3A_196, %dma_start3A_200, %dma_start3A_201] : memref<16384x200x64xf32, #tpu.memory_space<hbm>> -> memref<1x200x64xf32, #tpu.memory_space<hbm>>
      %dma_start3A_203 = tpu.memref_squeeze %dma_start3A_202 : memref<1x200x64xf32, #tpu.memory_space<hbm>> -> memref<200x64xf32, #tpu.memory_space<hbm>>
      %dma_start3A_204 = arith.constant 0 : i32
      %dma_start3A_205 = arith.constant 0 : i32
      %dma_start3A_206 = tpu.memref_slice %arg4[%add3A_196, %dma_start3A_204, %dma_start3A_205] : memref<16384x200x64xf32, #tpu.memory_space<hbm>> -> memref<1x200x64xf32, #tpu.memory_space<hbm>>
      %dma_start3A_207 = tpu.memref_squeeze %dma_start3A_206 : memref<1x200x64xf32, #tpu.memory_space<hbm>> -> memref<200x64xf32, #tpu.memory_space<hbm>>
      %dma_start3A_208 = arith.constant 400 : i32
      %dma_start3A_209 = arith.constant 0 : i32
      %dma_start3A_210 = tpu.memref_slice %arg7[%dma_start3A_208, %dma_start3A_209] : memref<800x64xf32, #tpu.memory_space<vmem>> -> memref<200x64xf32, #tpu.memory_space<vmem>>
      tpu.enqueue_dma source(%dma_start3A_210 : memref<200x64xf32, #tpu.memory_space<vmem>>) target(%dma_start3A_207 : memref<200x64xf32, #tpu.memory_space<hbm>>) target_semaphore(%arg11 : memref<!tpu.dma_semaphore, #tpu.memory_space<semaphore_mem>>)
      %add3A_211 = arith.constant 3 : i32
      %add3A_212 = arith.addi %add3A_162, %add3A_211 : i32
      %dma_start3A_213 = arith.constant 600 : i32
      %dma_start3A_214 = arith.constant 0 : i32
      %dma_start3A_215 = tpu.memref_slice %arg7[%dma_start3A_213, %dma_start3A_214] : memref<800x64xf32, #tpu.memory_space<vmem>> -> memref<200x64xf32, #tpu.memory_space<vmem>>
      %dma_start3A_216 = arith.constant 0 : i32
      %dma_start3A_217 = arith.constant 0 : i32
      %dma_start3A_218 = tpu.memref_slice %arg4[%add3A_212, %dma_start3A_216, %dma_start3A_217] : memref<16384x200x64xf32, #tpu.memory_space<hbm>> -> memref<1x200x64xf32, #tpu.memory_space<hbm>>
      %dma_start3A_219 = tpu.memref_squeeze %dma_start3A_218 : memref<1x200x64xf32, #tpu.memory_space<hbm>> -> memref<200x64xf32, #tpu.memory_space<hbm>>
      %dma_start3A_220 = arith.constant 0 : i32
      %dma_start3A_221 = arith.constant 0 : i32
      %dma_start3A_222 = tpu.memref_slice %arg4[%add3A_212, %dma_start3A_220, %dma_start3A_221] : memref<16384x200x64xf32, #tpu.memory_space<hbm>> -> memref<1x200x64xf32, #tpu.memory_space<hbm>>
      %dma_start3A_223 = tpu.memref_squeeze %dma_start3A_222 : memref<1x200x64xf32, #tpu.memory_space<hbm>> -> memref<200x64xf32, #tpu.memory_space<hbm>>
      %dma_start3A_224 = arith.constant 600 : i32
      %dma_start3A_225 = arith.constant 0 : i32
      %dma_start3A_226 = tpu.memref_slice %arg7[%dma_start3A_224, %dma_start3A_225] : memref<800x64xf32, #tpu.memory_space<vmem>> -> memref<200x64xf32, #tpu.memory_space<vmem>>
      tpu.enqueue_dma source(%dma_start3A_226 : memref<200x64xf32, #tpu.memory_space<vmem>>) target(%dma_start3A_223 : memref<200x64xf32, #tpu.memory_space<hbm>>) target_semaphore(%arg11 : memref<!tpu.dma_semaphore, #tpu.memory_space<semaphore_mem>>)
      %lt3A = arith.constant 63 : i32
      %lt3A_227 = arith.cmpi slt, %scan3A_152, %lt3A : i32
      %convert_element_type3A = arith.extui %lt3A_227 : i1 to i32
      %cond3A = arith.constant 0 : i32
      %cond3A_228 = arith.cmpi ne, %convert_element_type3A, %cond3A : i32
      scf.if %cond3A_228 {
        %mul3A_308 = arith.constant 4 : i32
        %mul3A_309 = arith.muli %add3A_156, %mul3A_308 : i32
        %add3A_310 = arith.addi %mul3A_2, %mul3A_309 : i32
        %add3A_311 = arith.constant 0 : i32
        %add3A_312 = arith.addi %add3A_310, %add3A_311 : i32
        %dma_wait3A_313 = arith.constant 0 : i32
        %dma_wait3A_314 = arith.constant 0 : i32
        %dma_wait3A_315 = tpu.memref_slice %arg7[%dma_wait3A_313, %dma_wait3A_314] : memref<800x64xf32, #tpu.memory_space<vmem>> -> memref<200x64xf32, #tpu.memory_space<vmem>>
        %dma_wait3A_316 = arith.constant 0 : i32
        %dma_wait3A_317 = arith.constant 0 : i32
        %dma_wait3A_318 = tpu.memref_slice %arg4[%add3A_312, %dma_wait3A_316, %dma_wait3A_317] : memref<16384x200x64xf32, #tpu.memory_space<hbm>> -> memref<1x200x64xf32, #tpu.memory_space<hbm>>
        %dma_wait3A_319 = tpu.memref_squeeze %dma_wait3A_318 : memref<1x200x64xf32, #tpu.memory_space<hbm>> -> memref<200x64xf32, #tpu.memory_space<hbm>>
        %dma_wait3A_320 = arith.constant 0 : i32
        %dma_wait3A_321 = arith.constant 0 : i32
        %dma_wait3A_322 = tpu.memref_slice %arg4[%add3A_312, %dma_wait3A_320, %dma_wait3A_321] : memref<16384x200x64xf32, #tpu.memory_space<hbm>> -> memref<1x200x64xf32, #tpu.memory_space<hbm>>
        %dma_wait3A_323 = tpu.memref_squeeze %dma_wait3A_322 : memref<1x200x64xf32, #tpu.memory_space<hbm>> -> memref<200x64xf32, #tpu.memory_space<hbm>>
        %dma_wait3A_324 = arith.constant 0 : i32
        %dma_wait3A_325 = arith.constant 0 : i32
        %dma_wait3A_326 = tpu.memref_slice %arg7[%dma_wait3A_324, %dma_wait3A_325] : memref<800x64xf32, #tpu.memory_space<vmem>> -> memref<200x64xf32, #tpu.memory_space<vmem>>
        tpu.wait_dma2 semaphore(%arg11 : memref<!tpu.dma_semaphore, #tpu.memory_space<semaphore_mem>>) src(%dma_wait3A_326 : memref<200x64xf32, #tpu.memory_space<vmem>>) dst(%dma_wait3A_323 : memref<200x64xf32, #tpu.memory_space<hbm>>)
        %add3A_327 = arith.constant 1 : i32
        %add3A_328 = arith.addi %add3A_310, %add3A_327 : i32
        %dma_wait3A_329 = arith.constant 200 : i32
        %dma_wait3A_330 = arith.constant 0 : i32
        %dma_wait3A_331 = tpu.memref_slice %arg7[%dma_wait3A_329, %dma_wait3A_330] : memref<800x64xf32, #tpu.memory_space<vmem>> -> memref<200x64xf32, #tpu.memory_space<vmem>>
        %dma_wait3A_332 = arith.constant 0 : i32
        %dma_wait3A_333 = arith.constant 0 : i32
        %dma_wait3A_334 = tpu.memref_slice %arg4[%add3A_328, %dma_wait3A_332, %dma_wait3A_333] : memref<16384x200x64xf32, #tpu.memory_space<hbm>> -> memref<1x200x64xf32, #tpu.memory_space<hbm>>
        %dma_wait3A_335 = tpu.memref_squeeze %dma_wait3A_334 : memref<1x200x64xf32, #tpu.memory_space<hbm>> -> memref<200x64xf32, #tpu.memory_space<hbm>>
        %dma_wait3A_336 = arith.constant 0 : i32
        %dma_wait3A_337 = arith.constant 0 : i32
        %dma_wait3A_338 = tpu.memref_slice %arg4[%add3A_328, %dma_wait3A_336, %dma_wait3A_337] : memref<16384x200x64xf32, #tpu.memory_space<hbm>> -> memref<1x200x64xf32, #tpu.memory_space<hbm>>
        %dma_wait3A_339 = tpu.memref_squeeze %dma_wait3A_338 : memref<1x200x64xf32, #tpu.memory_space<hbm>> -> memref<200x64xf32, #tpu.memory_space<hbm>>
        %dma_wait3A_340 = arith.constant 200 : i32
        %dma_wait3A_341 = arith.constant 0 : i32
        %dma_wait3A_342 = tpu.memref_slice %arg7[%dma_wait3A_340, %dma_wait3A_341] : memref<800x64xf32, #tpu.memory_space<vmem>> -> memref<200x64xf32, #tpu.memory_space<vmem>>
        tpu.wait_dma2 semaphore(%arg11 : memref<!tpu.dma_semaphore, #tpu.memory_space<semaphore_mem>>) src(%dma_wait3A_342 : memref<200x64xf32, #tpu.memory_space<vmem>>) dst(%dma_wait3A_339 : memref<200x64xf32, #tpu.memory_space<hbm>>)
        %add3A_343 = arith.constant 2 : i32
        %add3A_344 = arith.addi %add3A_310, %add3A_343 : i32
        %dma_wait3A_345 = arith.constant 400 : i32
        %dma_wait3A_346 = arith.constant 0 : i32
        %dma_wait3A_347 = tpu.memref_slice %arg7[%dma_wait3A_345, %dma_wait3A_346] : memref<800x64xf32, #tpu.memory_space<vmem>> -> memref<200x64xf32, #tpu.memory_space<vmem>>
        %dma_wait3A_348 = arith.constant 0 : i32
        %dma_wait3A_349 = arith.constant 0 : i32
        %dma_wait3A_350 = tpu.memref_slice %arg4[%add3A_344, %dma_wait3A_348, %dma_wait3A_349] : memref<16384x200x64xf32, #tpu.memory_space<hbm>> -> memref<1x200x64xf32, #tpu.memory_space<hbm>>
        %dma_wait3A_351 = tpu.memref_squeeze %dma_wait3A_350 : memref<1x200x64xf32, #tpu.memory_space<hbm>> -> memref<200x64xf32, #tpu.memory_space<hbm>>
        %dma_wait3A_352 = arith.constant 0 : i32
        %dma_wait3A_353 = arith.constant 0 : i32
        %dma_wait3A_354 = tpu.memref_slice %arg4[%add3A_344, %dma_wait3A_352, %dma_wait3A_353] : memref<16384x200x64xf32, #tpu.memory_space<hbm>> -> memref<1x200x64xf32, #tpu.memory_space<hbm>>
        %dma_wait3A_355 = tpu.memref_squeeze %dma_wait3A_354 : memref<1x200x64xf32, #tpu.memory_space<hbm>> -> memref<200x64xf32, #tpu.memory_space<hbm>>
        %dma_wait3A_356 = arith.constant 400 : i32
        %dma_wait3A_357 = arith.constant 0 : i32
        %dma_wait3A_358 = tpu.memref_slice %arg7[%dma_wait3A_356, %dma_wait3A_357] : memref<800x64xf32, #tpu.memory_space<vmem>> -> memref<200x64xf32, #tpu.memory_space<vmem>>
        tpu.wait_dma2 semaphore(%arg11 : memref<!tpu.dma_semaphore, #tpu.memory_space<semaphore_mem>>) src(%dma_wait3A_358 : memref<200x64xf32, #tpu.memory_space<vmem>>) dst(%dma_wait3A_355 : memref<200x64xf32, #tpu.memory_space<hbm>>)
        %add3A_359 = arith.constant 3 : i32
        %add3A_360 = arith.addi %add3A_310, %add3A_359 : i32
        %dma_wait3A_361 = arith.constant 600 : i32
        %dma_wait3A_362 = arith.constant 0 : i32
        %dma_wait3A_363 = tpu.memref_slice %arg7[%dma_wait3A_361, %dma_wait3A_362] : memref<800x64xf32, #tpu.memory_space<vmem>> -> memref<200x64xf32, #tpu.memory_space<vmem>>
        %dma_wait3A_364 = arith.constant 0 : i32
        %dma_wait3A_365 = arith.constant 0 : i32
        %dma_wait3A_366 = tpu.memref_slice %arg4[%add3A_360, %dma_wait3A_364, %dma_wait3A_365] : memref<16384x200x64xf32, #tpu.memory_space<hbm>> -> memref<1x200x64xf32, #tpu.memory_space<hbm>>
        %dma_wait3A_367 = tpu.memref_squeeze %dma_wait3A_366 : memref<1x200x64xf32, #tpu.memory_space<hbm>> -> memref<200x64xf32, #tpu.memory_space<hbm>>
        %dma_wait3A_368 = arith.constant 0 : i32
        %dma_wait3A_369 = arith.constant 0 : i32
        %dma_wait3A_370 = tpu.memref_slice %arg4[%add3A_360, %dma_wait3A_368, %dma_wait3A_369] : memref<16384x200x64xf32, #tpu.memory_space<hbm>> -> memref<1x200x64xf32, #tpu.memory_space<hbm>>
        %dma_wait3A_371 = tpu.memref_squeeze %dma_wait3A_370 : memref<1x200x64xf32, #tpu.memory_space<hbm>> -> memref<200x64xf32, #tpu.memory_space<hbm>>
        %dma_wait3A_372 = arith.constant 600 : i32
        %dma_wait3A_373 = arith.constant 0 : i32
        %dma_wait3A_374 = tpu.memref_slice %arg7[%dma_wait3A_372, %dma_wait3A_373] : memref<800x64xf32, #tpu.memory_space<vmem>> -> memref<200x64xf32, #tpu.memory_space<vmem>>
        tpu.wait_dma2 semaphore(%arg11 : memref<!tpu.dma_semaphore, #tpu.memory_space<semaphore_mem>>) src(%dma_wait3A_374 : memref<200x64xf32, #tpu.memory_space<vmem>>) dst(%dma_wait3A_371 : memref<200x64xf32, #tpu.memory_space<hbm>>)
        %add3A_375 = arith.constant 2 : i32
        %add3A_376 = arith.addi %add3A_156, %add3A_375 : i32
        %mul3A_377 = arith.constant 4 : i32
        %mul3A_378 = arith.muli %add3A_376, %mul3A_377 : i32
        %add3A_379 = arith.addi %mul3A_2, %mul3A_378 : i32
        %mul3A_380 = arith.constant 200 : i32
        %mul3A_381 = arith.muli %add3A_379, %mul3A_380 : i32
        "tpu.region"() ({
          %run_scoped3A = tpu.sem_alloc : memref<!tpu.dma_semaphore, #tpu.memory_space<semaphore_mem>>
          %dma_start3A_385 = tpu.memref_slice %arg2[%mul3A_381] : memref<3276800xi32, #tpu.memory_space<hbm>> -> memref<800xi32, #tpu.memory_space<hbm>>
          %dma_start3A_386 = tpu.memref_slice %arg2[%mul3A_381] : memref<3276800xi32, #tpu.memory_space<hbm>> -> memref<800xi32, #tpu.memory_space<hbm>>
          tpu.enqueue_dma source(%dma_start3A_386 : memref<800xi32, #tpu.memory_space<hbm>>) target(%arg5 : memref<800xi32, #tpu.memory_space<vmem>>) target_semaphore(%run_scoped3A : memref<!tpu.dma_semaphore, #tpu.memory_space<semaphore_mem>>)
          %dma_wait3A_387 = tpu.memref_slice %arg2[%mul3A_381] : memref<3276800xi32, #tpu.memory_space<hbm>> -> memref<800xi32, #tpu.memory_space<hbm>>
          %dma_wait3A_388 = tpu.memref_slice %arg2[%mul3A_381] : memref<3276800xi32, #tpu.memory_space<hbm>> -> memref<800xi32, #tpu.memory_space<hbm>>
          tpu.wait_dma2 semaphore(%run_scoped3A : memref<!tpu.dma_semaphore, #tpu.memory_space<semaphore_mem>>) src(%dma_wait3A_388 : memref<800xi32, #tpu.memory_space<hbm>>) dst(%arg5 : memref<800xi32, #tpu.memory_space<vmem>>)
          tpu.yield
        }) : () -> ()
        %dma_start3A_382 = arith.constant 0 : i32
        %dma_start3A_383 = arith.constant 0 : i32
        %dma_start3A_384 = tpu.memref_slice %arg3[%dma_start3A_382, %dma_start3A_383] : memref<1000000x64xf32, #tpu.memory_space<hbm>> -> memref<1000000x64xf32, #tpu.memory_space<hbm>>
        tpu.enqueue_indirect_dma source(%dma_start3A_384 : memref<1000000x64xf32, #tpu.memory_space<hbm>>) target(%arg7 : memref<800x64xf32, #tpu.memory_space<vmem>>) offsets(%arg5 : memref<800xi32, #tpu.memory_space<vmem>>) semaphore(%arg9 : memref<!tpu.dma_semaphore, #tpu.memory_space<semaphore_mem>>)
      } else {
      }
      %mul3A_229 = arith.constant 2 : i32
      %mul3A_230 = arith.muli %mul3A_229, %scan3A_152 : i32
      %add3A_231 = arith.constant 1 : i32
      %add3A_232 = arith.addi %mul3A_230, %add3A_231 : i32
      %dma_wait3A_233 = arith.constant 0 : i32
      %dma_wait3A_234 = arith.constant 0 : i32
      %dma_wait3A_235 = tpu.memref_slice %arg3[%dma_wait3A_233, %dma_wait3A_234] : memref<1000000x64xf32, #tpu.memory_space<hbm>> -> memref<1000000x64xf32, #tpu.memory_space<hbm>>
      tpu.wait_indirect_dma semaphore(%arg10 : memref<!tpu.dma_semaphore, #tpu.memory_space<semaphore_mem>>) src(%dma_wait3A_235 : memref<1000000x64xf32, #tpu.memory_space<hbm>>) dst(%arg8 : memref<800x64xf32, #tpu.memory_space<vmem>>)
      %mul3A_236 = arith.constant 4 : i32
      %mul3A_237 = arith.muli %add3A_232, %mul3A_236 : i32
      %add3A_238 = arith.addi %mul3A_2, %mul3A_237 : i32
      %add3A_239 = arith.constant 0 : i32
      %add3A_240 = arith.addi %add3A_238, %add3A_239 : i32
      %dma_start3A_241 = arith.constant 0 : i32
      %dma_start3A_242 = arith.constant 0 : i32
      %dma_start3A_243 = tpu.memref_slice %arg8[%dma_start3A_241, %dma_start3A_242] : memref<800x64xf32, #tpu.memory_space<vmem>> -> memref<200x64xf32, #tpu.memory_space<vmem>>
      %dma_start3A_244 = arith.constant 0 : i32
      %dma_start3A_245 = arith.constant 0 : i32
      %dma_start3A_246 = tpu.memref_slice %arg4[%add3A_240, %dma_start3A_244, %dma_start3A_245] : memref<16384x200x64xf32, #tpu.memory_space<hbm>> -> memref<1x200x64xf32, #tpu.memory_space<hbm>>
      %dma_start3A_247 = tpu.memref_squeeze %dma_start3A_246 : memref<1x200x64xf32, #tpu.memory_space<hbm>> -> memref<200x64xf32, #tpu.memory_space<hbm>>
      %dma_start3A_248 = arith.constant 0 : i32
      %dma_start3A_249 = arith.constant 0 : i32
      %dma_start3A_250 = tpu.memref_slice %arg4[%add3A_240, %dma_start3A_248, %dma_start3A_249] : memref<16384x200x64xf32, #tpu.memory_space<hbm>> -> memref<1x200x64xf32, #tpu.memory_space<hbm>>
      %dma_start3A_251 = tpu.memref_squeeze %dma_start3A_250 : memref<1x200x64xf32, #tpu.memory_space<hbm>> -> memref<200x64xf32, #tpu.memory_space<hbm>>
      %dma_start3A_252 = arith.constant 0 : i32
      %dma_start3A_253 = arith.constant 0 : i32
      %dma_start3A_254 = tpu.memref_slice %arg8[%dma_start3A_252, %dma_start3A_253] : memref<800x64xf32, #tpu.memory_space<vmem>> -> memref<200x64xf32, #tpu.memory_space<vmem>>
      tpu.enqueue_dma source(%dma_start3A_254 : memref<200x64xf32, #tpu.memory_space<vmem>>) target(%dma_start3A_251 : memref<200x64xf32, #tpu.memory_space<hbm>>) target_semaphore(%arg12 : memref<!tpu.dma_semaphore, #tpu.memory_space<semaphore_mem>>)
      %add3A_255 = arith.constant 1 : i32
      %add3A_256 = arith.addi %add3A_238, %add3A_255 : i32
      %dma_start3A_257 = arith.constant 200 : i32
      %dma_start3A_258 = arith.constant 0 : i32
      %dma_start3A_259 = tpu.memref_slice %arg8[%dma_start3A_257, %dma_start3A_258] : memref<800x64xf32, #tpu.memory_space<vmem>> -> memref<200x64xf32, #tpu.memory_space<vmem>>
      %dma_start3A_260 = arith.constant 0 : i32
      %dma_start3A_261 = arith.constant 0 : i32
      %dma_start3A_262 = tpu.memref_slice %arg4[%add3A_256, %dma_start3A_260, %dma_start3A_261] : memref<16384x200x64xf32, #tpu.memory_space<hbm>> -> memref<1x200x64xf32, #tpu.memory_space<hbm>>
      %dma_start3A_263 = tpu.memref_squeeze %dma_start3A_262 : memref<1x200x64xf32, #tpu.memory_space<hbm>> -> memref<200x64xf32, #tpu.memory_space<hbm>>
      %dma_start3A_264 = arith.constant 0 : i32
      %dma_start3A_265 = arith.constant 0 : i32
      %dma_start3A_266 = tpu.memref_slice %arg4[%add3A_256, %dma_start3A_264, %dma_start3A_265] : memref<16384x200x64xf32, #tpu.memory_space<hbm>> -> memref<1x200x64xf32, #tpu.memory_space<hbm>>
      %dma_start3A_267 = tpu.memref_squeeze %dma_start3A_266 : memref<1x200x64xf32, #tpu.memory_space<hbm>> -> memref<200x64xf32, #tpu.memory_space<hbm>>
      %dma_start3A_268 = arith.constant 200 : i32
      %dma_start3A_269 = arith.constant 0 : i32
      %dma_start3A_270 = tpu.memref_slice %arg8[%dma_start3A_268, %dma_start3A_269] : memref<800x64xf32, #tpu.memory_space<vmem>> -> memref<200x64xf32, #tpu.memory_space<vmem>>
      tpu.enqueue_dma source(%dma_start3A_270 : memref<200x64xf32, #tpu.memory_space<vmem>>) target(%dma_start3A_267 : memref<200x64xf32, #tpu.memory_space<hbm>>) target_semaphore(%arg12 : memref<!tpu.dma_semaphore, #tpu.memory_space<semaphore_mem>>)
      %add3A_271 = arith.constant 2 : i32
      %add3A_272 = arith.addi %add3A_238, %add3A_271 : i32
      %dma_start3A_273 = arith.constant 400 : i32
      %dma_start3A_274 = arith.constant 0 : i32
      %dma_start3A_275 = tpu.memref_slice %arg8[%dma_start3A_273, %dma_start3A_274] : memref<800x64xf32, #tpu.memory_space<vmem>> -> memref<200x64xf32, #tpu.memory_space<vmem>>
      %dma_start3A_276 = arith.constant 0 : i32
      %dma_start3A_277 = arith.constant 0 : i32
      %dma_start3A_278 = tpu.memref_slice %arg4[%add3A_272, %dma_start3A_276, %dma_start3A_277] : memref<16384x200x64xf32, #tpu.memory_space<hbm>> -> memref<1x200x64xf32, #tpu.memory_space<hbm>>
      %dma_start3A_279 = tpu.memref_squeeze %dma_start3A_278 : memref<1x200x64xf32, #tpu.memory_space<hbm>> -> memref<200x64xf32, #tpu.memory_space<hbm>>
      %dma_start3A_280 = arith.constant 0 : i32
      %dma_start3A_281 = arith.constant 0 : i32
      %dma_start3A_282 = tpu.memref_slice %arg4[%add3A_272, %dma_start3A_280, %dma_start3A_281] : memref<16384x200x64xf32, #tpu.memory_space<hbm>> -> memref<1x200x64xf32, #tpu.memory_space<hbm>>
      %dma_start3A_283 = tpu.memref_squeeze %dma_start3A_282 : memref<1x200x64xf32, #tpu.memory_space<hbm>> -> memref<200x64xf32, #tpu.memory_space<hbm>>
      %dma_start3A_284 = arith.constant 400 : i32
      %dma_start3A_285 = arith.constant 0 : i32
      %dma_start3A_286 = tpu.memref_slice %arg8[%dma_start3A_284, %dma_start3A_285] : memref<800x64xf32, #tpu.memory_space<vmem>> -> memref<200x64xf32, #tpu.memory_space<vmem>>
      tpu.enqueue_dma source(%dma_start3A_286 : memref<200x64xf32, #tpu.memory_space<vmem>>) target(%dma_start3A_283 : memref<200x64xf32, #tpu.memory_space<hbm>>) target_semaphore(%arg12 : memref<!tpu.dma_semaphore, #tpu.memory_space<semaphore_mem>>)
      %add3A_287 = arith.constant 3 : i32
      %add3A_288 = arith.addi %add3A_238, %add3A_287 : i32
      %dma_start3A_289 = arith.constant 600 : i32
      %dma_start3A_290 = arith.constant 0 : i32
      %dma_start3A_291 = tpu.memref_slice %arg8[%dma_start3A_289, %dma_start3A_290] : memref<800x64xf32, #tpu.memory_space<vmem>> -> memref<200x64xf32, #tpu.memory_space<vmem>>
      %dma_start3A_292 = arith.constant 0 : i32
      %dma_start3A_293 = arith.constant 0 : i32
      %dma_start3A_294 = tpu.memref_slice %arg4[%add3A_288, %dma_start3A_292, %dma_start3A_293] : memref<16384x200x64xf32, #tpu.memory_space<hbm>> -> memref<1x200x64xf32, #tpu.memory_space<hbm>>
      %dma_start3A_295 = tpu.memref_squeeze %dma_start3A_294 : memref<1x200x64xf32, #tpu.memory_space<hbm>> -> memref<200x64xf32, #tpu.memory_space<hbm>>
      %dma_start3A_296 = arith.constant 0 : i32
      %dma_start3A_297 = arith.constant 0 : i32
      %dma_start3A_298 = tpu.memref_slice %arg4[%add3A_288, %dma_start3A_296, %dma_start3A_297] : memref<16384x200x64xf32, #tpu.memory_space<hbm>> -> memref<1x200x64xf32, #tpu.memory_space<hbm>>
      %dma_start3A_299 = tpu.memref_squeeze %dma_start3A_298 : memref<1x200x64xf32, #tpu.memory_space<hbm>> -> memref<200x64xf32, #tpu.memory_space<hbm>>
      %dma_start3A_300 = arith.constant 600 : i32
      %dma_start3A_301 = arith.constant 0 : i32
      %dma_start3A_302 = tpu.memref_slice %arg8[%dma_start3A_300, %dma_start3A_301] : memref<800x64xf32, #tpu.memory_space<vmem>> -> memref<200x64xf32, #tpu.memory_space<vmem>>
      tpu.enqueue_dma source(%dma_start3A_302 : memref<200x64xf32, #tpu.memory_space<vmem>>) target(%dma_start3A_299 : memref<200x64xf32, #tpu.memory_space<hbm>>) target_semaphore(%arg12 : memref<!tpu.dma_semaphore, #tpu.memory_space<semaphore_mem>>)
      %lt3A_303 = arith.constant 63 : i32
      %lt3A_304 = arith.cmpi slt, %scan3A_152, %lt3A_303 : i32
      %convert_element_type3A_305 = arith.extui %lt3A_304 : i1 to i32
      %cond3A_306 = arith.constant 0 : i32
      %cond3A_307 = arith.cmpi ne, %convert_element_type3A_305, %cond3A_306 : i32
      scf.if %cond3A_307 {
        %mul3A_308 = arith.constant 4 : i32
        %mul3A_309 = arith.muli %add3A_232, %mul3A_308 : i32
        %add3A_310 = arith.addi %mul3A_2, %mul3A_309 : i32
        %add3A_311 = arith.constant 0 : i32
        %add3A_312 = arith.addi %add3A_310, %add3A_311 : i32
        %dma_wait3A_313 = arith.constant 0 : i32
        %dma_wait3A_314 = arith.constant 0 : i32
        %dma_wait3A_315 = tpu.memref_slice %arg8[%dma_wait3A_313, %dma_wait3A_314] : memref<800x64xf32, #tpu.memory_space<vmem>> -> memref<200x64xf32, #tpu.memory_space<vmem>>
        %dma_wait3A_316 = arith.constant 0 : i32
        %dma_wait3A_317 = arith.constant 0 : i32
        %dma_wait3A_318 = tpu.memref_slice %arg4[%add3A_312, %dma_wait3A_316, %dma_wait3A_317] : memref<16384x200x64xf32, #tpu.memory_space<hbm>> -> memref<1x200x64xf32, #tpu.memory_space<hbm>>
        %dma_wait3A_319 = tpu.memref_squeeze %dma_wait3A_318 : memref<1x200x64xf32, #tpu.memory_space<hbm>> -> memref<200x64xf32, #tpu.memory_space<hbm>>
        %dma_wait3A_320 = arith.constant 0 : i32
        %dma_wait3A_321 = arith.constant 0 : i32
        %dma_wait3A_322 = tpu.memref_slice %arg4[%add3A_312, %dma_wait3A_320, %dma_wait3A_321] : memref<16384x200x64xf32, #tpu.memory_space<hbm>> -> memref<1x200x64xf32, #tpu.memory_space<hbm>>
        %dma_wait3A_323 = tpu.memref_squeeze %dma_wait3A_322 : memref<1x200x64xf32, #tpu.memory_space<hbm>> -> memref<200x64xf32, #tpu.memory_space<hbm>>
        %dma_wait3A_324 = arith.constant 0 : i32
        %dma_wait3A_325 = arith.constant 0 : i32
        %dma_wait3A_326 = tpu.memref_slice %arg8[%dma_wait3A_324, %dma_wait3A_325] : memref<800x64xf32, #tpu.memory_space<vmem>> -> memref<200x64xf32, #tpu.memory_space<vmem>>
        tpu.wait_dma2 semaphore(%arg12 : memref<!tpu.dma_semaphore, #tpu.memory_space<semaphore_mem>>) src(%dma_wait3A_326 : memref<200x64xf32, #tpu.memory_space<vmem>>) dst(%dma_wait3A_323 : memref<200x64xf32, #tpu.memory_space<hbm>>)
        %add3A_327 = arith.constant 1 : i32
        %add3A_328 = arith.addi %add3A_310, %add3A_327 : i32
        %dma_wait3A_329 = arith.constant 200 : i32
        %dma_wait3A_330 = arith.constant 0 : i32
        %dma_wait3A_331 = tpu.memref_slice %arg8[%dma_wait3A_329, %dma_wait3A_330] : memref<800x64xf32, #tpu.memory_space<vmem>> -> memref<200x64xf32, #tpu.memory_space<vmem>>
        %dma_wait3A_332 = arith.constant 0 : i32
        %dma_wait3A_333 = arith.constant 0 : i32
        %dma_wait3A_334 = tpu.memref_slice %arg4[%add3A_328, %dma_wait3A_332, %dma_wait3A_333] : memref<16384x200x64xf32, #tpu.memory_space<hbm>> -> memref<1x200x64xf32, #tpu.memory_space<hbm>>
        %dma_wait3A_335 = tpu.memref_squeeze %dma_wait3A_334 : memref<1x200x64xf32, #tpu.memory_space<hbm>> -> memref<200x64xf32, #tpu.memory_space<hbm>>
        %dma_wait3A_336 = arith.constant 0 : i32
        %dma_wait3A_337 = arith.constant 0 : i32
        %dma_wait3A_338 = tpu.memref_slice %arg4[%add3A_328, %dma_wait3A_336, %dma_wait3A_337] : memref<16384x200x64xf32, #tpu.memory_space<hbm>> -> memref<1x200x64xf32, #tpu.memory_space<hbm>>
        %dma_wait3A_339 = tpu.memref_squeeze %dma_wait3A_338 : memref<1x200x64xf32, #tpu.memory_space<hbm>> -> memref<200x64xf32, #tpu.memory_space<hbm>>
        %dma_wait3A_340 = arith.constant 200 : i32
        %dma_wait3A_341 = arith.constant 0 : i32
        %dma_wait3A_342 = tpu.memref_slice %arg8[%dma_wait3A_340, %dma_wait3A_341] : memref<800x64xf32, #tpu.memory_space<vmem>> -> memref<200x64xf32, #tpu.memory_space<vmem>>
        tpu.wait_dma2 semaphore(%arg12 : memref<!tpu.dma_semaphore, #tpu.memory_space<semaphore_mem>>) src(%dma_wait3A_342 : memref<200x64xf32, #tpu.memory_space<vmem>>) dst(%dma_wait3A_339 : memref<200x64xf32, #tpu.memory_space<hbm>>)
        %add3A_343 = arith.constant 2 : i32
        %add3A_344 = arith.addi %add3A_310, %add3A_343 : i32
        %dma_wait3A_345 = arith.constant 400 : i32
        %dma_wait3A_346 = arith.constant 0 : i32
        %dma_wait3A_347 = tpu.memref_slice %arg8[%dma_wait3A_345, %dma_wait3A_346] : memref<800x64xf32, #tpu.memory_space<vmem>> -> memref<200x64xf32, #tpu.memory_space<vmem>>
        %dma_wait3A_348 = arith.constant 0 : i32
        %dma_wait3A_349 = arith.constant 0 : i32
        %dma_wait3A_350 = tpu.memref_slice %arg4[%add3A_344, %dma_wait3A_348, %dma_wait3A_349] : memref<16384x200x64xf32, #tpu.memory_space<hbm>> -> memref<1x200x64xf32, #tpu.memory_space<hbm>>
        %dma_wait3A_351 = tpu.memref_squeeze %dma_wait3A_350 : memref<1x200x64xf32, #tpu.memory_space<hbm>> -> memref<200x64xf32, #tpu.memory_space<hbm>>
        %dma_wait3A_352 = arith.constant 0 : i32
        %dma_wait3A_353 = arith.constant 0 : i32
        %dma_wait3A_354 = tpu.memref_slice %arg4[%add3A_344, %dma_wait3A_352, %dma_wait3A_353] : memref<16384x200x64xf32, #tpu.memory_space<hbm>> -> memref<1x200x64xf32, #tpu.memory_space<hbm>>
        %dma_wait3A_355 = tpu.memref_squeeze %dma_wait3A_354 : memref<1x200x64xf32, #tpu.memory_space<hbm>> -> memref<200x64xf32, #tpu.memory_space<hbm>>
        %dma_wait3A_356 = arith.constant 400 : i32
        %dma_wait3A_357 = arith.constant 0 : i32
        %dma_wait3A_358 = tpu.memref_slice %arg8[%dma_wait3A_356, %dma_wait3A_357] : memref<800x64xf32, #tpu.memory_space<vmem>> -> memref<200x64xf32, #tpu.memory_space<vmem>>
        tpu.wait_dma2 semaphore(%arg12 : memref<!tpu.dma_semaphore, #tpu.memory_space<semaphore_mem>>) src(%dma_wait3A_358 : memref<200x64xf32, #tpu.memory_space<vmem>>) dst(%dma_wait3A_355 : memref<200x64xf32, #tpu.memory_space<hbm>>)
        %add3A_359 = arith.constant 3 : i32
        %add3A_360 = arith.addi %add3A_310, %add3A_359 : i32
        %dma_wait3A_361 = arith.constant 600 : i32
        %dma_wait3A_362 = arith.constant 0 : i32
        %dma_wait3A_363 = tpu.memref_slice %arg8[%dma_wait3A_361, %dma_wait3A_362] : memref<800x64xf32, #tpu.memory_space<vmem>> -> memref<200x64xf32, #tpu.memory_space<vmem>>
        %dma_wait3A_364 = arith.constant 0 : i32
        %dma_wait3A_365 = arith.constant 0 : i32
        %dma_wait3A_366 = tpu.memref_slice %arg4[%add3A_360, %dma_wait3A_364, %dma_wait3A_365] : memref<16384x200x64xf32, #tpu.memory_space<hbm>> -> memref<1x200x64xf32, #tpu.memory_space<hbm>>
        %dma_wait3A_367 = tpu.memref_squeeze %dma_wait3A_366 : memref<1x200x64xf32, #tpu.memory_space<hbm>> -> memref<200x64xf32, #tpu.memory_space<hbm>>
        %dma_wait3A_368 = arith.constant 0 : i32
        %dma_wait3A_369 = arith.constant 0 : i32
        %dma_wait3A_370 = tpu.memref_slice %arg4[%add3A_360, %dma_wait3A_368, %dma_wait3A_369] : memref<16384x200x64xf32, #tpu.memory_space<hbm>> -> memref<1x200x64xf32, #tpu.memory_space<hbm>>
        %dma_wait3A_371 = tpu.memref_squeeze %dma_wait3A_370 : memref<1x200x64xf32, #tpu.memory_space<hbm>> -> memref<200x64xf32, #tpu.memory_space<hbm>>
        %dma_wait3A_372 = arith.constant 600 : i32
        %dma_wait3A_373 = arith.constant 0 : i32
        %dma_wait3A_374 = tpu.memref_slice %arg8[%dma_wait3A_372, %dma_wait3A_373] : memref<800x64xf32, #tpu.memory_space<vmem>> -> memref<200x64xf32, #tpu.memory_space<vmem>>
        tpu.wait_dma2 semaphore(%arg12 : memref<!tpu.dma_semaphore, #tpu.memory_space<semaphore_mem>>) src(%dma_wait3A_374 : memref<200x64xf32, #tpu.memory_space<vmem>>) dst(%dma_wait3A_371 : memref<200x64xf32, #tpu.memory_space<hbm>>)
        %add3A_375 = arith.constant 2 : i32
        %add3A_376 = arith.addi %add3A_232, %add3A_375 : i32
        %mul3A_377 = arith.constant 4 : i32
        %mul3A_378 = arith.muli %add3A_376, %mul3A_377 : i32
        %add3A_379 = arith.addi %mul3A_2, %mul3A_378 : i32
        %mul3A_380 = arith.constant 200 : i32
        %mul3A_381 = arith.muli %add3A_379, %mul3A_380 : i32
        "tpu.region"() ({
          %run_scoped3A = tpu.sem_alloc : memref<!tpu.dma_semaphore, #tpu.memory_space<semaphore_mem>>
          %dma_start3A_385 = tpu.memref_slice %arg2[%mul3A_381] : memref<3276800xi32, #tpu.memory_space<hbm>> -> memref<800xi32, #tpu.memory_space<hbm>>
          %dma_start3A_386 = tpu.memref_slice %arg2[%mul3A_381] : memref<3276800xi32, #tpu.memory_space<hbm>> -> memref<800xi32, #tpu.memory_space<hbm>>
          tpu.enqueue_dma source(%dma_start3A_386 : memref<800xi32, #tpu.memory_space<hbm>>) target(%arg6 : memref<800xi32, #tpu.memory_space<vmem>>) target_semaphore(%run_scoped3A : memref<!tpu.dma_semaphore, #tpu.memory_space<semaphore_mem>>)
          %dma_wait3A_387 = tpu.memref_slice %arg2[%mul3A_381] : memref<3276800xi32, #tpu.memory_space<hbm>> -> memref<800xi32, #tpu.memory_space<hbm>>
          %dma_wait3A_388 = tpu.memref_slice %arg2[%mul3A_381] : memref<3276800xi32, #tpu.memory_space<hbm>> -> memref<800xi32, #tpu.memory_space<hbm>>
          tpu.wait_dma2 semaphore(%run_scoped3A : memref<!tpu.dma_semaphore, #tpu.memory_space<semaphore_mem>>) src(%dma_wait3A_388 : memref<800xi32, #tpu.memory_space<hbm>>) dst(%arg6 : memref<800xi32, #tpu.memory_space<vmem>>)
          tpu.yield
        }) : () -> ()
        %dma_start3A_382 = arith.constant 0 : i32
        %dma_start3A_383 = arith.constant 0 : i32
        %dma_start3A_384 = tpu.memref_slice %arg3[%dma_start3A_382, %dma_start3A_383] : memref<1000000x64xf32, #tpu.memory_space<hbm>> -> memref<1000000x64xf32, #tpu.memory_space<hbm>>
        tpu.enqueue_indirect_dma source(%dma_start3A_384 : memref<1000000x64xf32, #tpu.memory_space<hbm>>) target(%arg8 : memref<800x64xf32, #tpu.memory_space<vmem>>) offsets(%arg6 : memref<800xi32, #tpu.memory_space<vmem>>) semaphore(%arg10 : memref<!tpu.dma_semaphore, #tpu.memory_space<semaphore_mem>>)
      } else {
      }
    }
    %scan3A_20 = arith.constant 64 : i32
    %add3A_21 = arith.constant 504 : i32
    %add3A_22 = arith.addi %mul3A_2, %add3A_21 : i32
    %add3A_23 = arith.constant 0 : i32
    %add3A_24 = arith.addi %add3A_22, %add3A_23 : i32
    %dma_wait3A = arith.constant 0 : i32
    %dma_wait3A_25 = arith.constant 0 : i32
    %dma_wait3A_26 = tpu.memref_slice %arg7[%dma_wait3A, %dma_wait3A_25] : memref<800x64xf32, #tpu.memory_space<vmem>> -> memref<200x64xf32, #tpu.memory_space<vmem>>
    %dma_wait3A_27 = arith.constant 0 : i32
    %dma_wait3A_28 = arith.constant 0 : i32
    %dma_wait3A_29 = tpu.memref_slice %arg4[%add3A_24, %dma_wait3A_27, %dma_wait3A_28] : memref<16384x200x64xf32, #tpu.memory_space<hbm>> -> memref<1x200x64xf32, #tpu.memory_space<hbm>>
    %dma_wait3A_30 = tpu.memref_squeeze %dma_wait3A_29 : memref<1x200x64xf32, #tpu.memory_space<hbm>> -> memref<200x64xf32, #tpu.memory_space<hbm>>
    %dma_wait3A_31 = arith.constant 0 : i32
    %dma_wait3A_32 = arith.constant 0 : i32
    %dma_wait3A_33 = tpu.memref_slice %arg4[%add3A_24, %dma_wait3A_31, %dma_wait3A_32] : memref<16384x200x64xf32, #tpu.memory_space<hbm>> -> memref<1x200x64xf32, #tpu.memory_space<hbm>>
    %dma_wait3A_34 = tpu.memref_squeeze %dma_wait3A_33 : memref<1x200x64xf32, #tpu.memory_space<hbm>> -> memref<200x64xf32, #tpu.memory_space<hbm>>
    %dma_wait3A_35 = arith.constant 0 : i32
    %dma_wait3A_36 = arith.constant 0 : i32
    %dma_wait3A_37 = tpu.memref_slice %arg7[%dma_wait3A_35, %dma_wait3A_36] : memref<800x64xf32, #tpu.memory_space<vmem>> -> memref<200x64xf32, #tpu.memory_space<vmem>>
    tpu.wait_dma2 semaphore(%arg11 : memref<!tpu.dma_semaphore, #tpu.memory_space<semaphore_mem>>) src(%dma_wait3A_37 : memref<200x64xf32, #tpu.memory_space<vmem>>) dst(%dma_wait3A_34 : memref<200x64xf32, #tpu.memory_space<hbm>>)
    %add3A_38 = arith.constant 1 : i32
    %add3A_39 = arith.addi %add3A_22, %add3A_38 : i32
    %dma_wait3A_40 = arith.constant 200 : i32
    %dma_wait3A_41 = arith.constant 0 : i32
    %dma_wait3A_42 = tpu.memref_slice %arg7[%dma_wait3A_40, %dma_wait3A_41] : memref<800x64xf32, #tpu.memory_space<vmem>> -> memref<200x64xf32, #tpu.memory_space<vmem>>
    %dma_wait3A_43 = arith.constant 0 : i32
    %dma_wait3A_44 = arith.constant 0 : i32
    %dma_wait3A_45 = tpu.memref_slice %arg4[%add3A_39, %dma_wait3A_43, %dma_wait3A_44] : memref<16384x200x64xf32, #tpu.memory_space<hbm>> -> memref<1x200x64xf32, #tpu.memory_space<hbm>>
    %dma_wait3A_46 = tpu.memref_squeeze %dma_wait3A_45 : memref<1x200x64xf32, #tpu.memory_space<hbm>> -> memref<200x64xf32, #tpu.memory_space<hbm>>
    %dma_wait3A_47 = arith.constant 0 : i32
    %dma_wait3A_48 = arith.constant 0 : i32
    %dma_wait3A_49 = tpu.memref_slice %arg4[%add3A_39, %dma_wait3A_47, %dma_wait3A_48] : memref<16384x200x64xf32, #tpu.memory_space<hbm>> -> memref<1x200x64xf32, #tpu.memory_space<hbm>>
    %dma_wait3A_50 = tpu.memref_squeeze %dma_wait3A_49 : memref<1x200x64xf32, #tpu.memory_space<hbm>> -> memref<200x64xf32, #tpu.memory_space<hbm>>
    %dma_wait3A_51 = arith.constant 200 : i32
    %dma_wait3A_52 = arith.constant 0 : i32
    %dma_wait3A_53 = tpu.memref_slice %arg7[%dma_wait3A_51, %dma_wait3A_52] : memref<800x64xf32, #tpu.memory_space<vmem>> -> memref<200x64xf32, #tpu.memory_space<vmem>>
    tpu.wait_dma2 semaphore(%arg11 : memref<!tpu.dma_semaphore, #tpu.memory_space<semaphore_mem>>) src(%dma_wait3A_53 : memref<200x64xf32, #tpu.memory_space<vmem>>) dst(%dma_wait3A_50 : memref<200x64xf32, #tpu.memory_space<hbm>>)
    %add3A_54 = arith.constant 2 : i32
    %add3A_55 = arith.addi %add3A_22, %add3A_54 : i32
    %dma_wait3A_56 = arith.constant 400 : i32
    %dma_wait3A_57 = arith.constant 0 : i32
    %dma_wait3A_58 = tpu.memref_slice %arg7[%dma_wait3A_56, %dma_wait3A_57] : memref<800x64xf32, #tpu.memory_space<vmem>> -> memref<200x64xf32, #tpu.memory_space<vmem>>
    %dma_wait3A_59 = arith.constant 0 : i32
    %dma_wait3A_60 = arith.constant 0 : i32
    %dma_wait3A_61 = tpu.memref_slice %arg4[%add3A_55, %dma_wait3A_59, %dma_wait3A_60] : memref<16384x200x64xf32, #tpu.memory_space<hbm>> -> memref<1x200x64xf32, #tpu.memory_space<hbm>>
    %dma_wait3A_62 = tpu.memref_squeeze %dma_wait3A_61 : memref<1x200x64xf32, #tpu.memory_space<hbm>> -> memref<200x64xf32, #tpu.memory_space<hbm>>
    %dma_wait3A_63 = arith.constant 0 : i32
    %dma_wait3A_64 = arith.constant 0 : i32
    %dma_wait3A_65 = tpu.memref_slice %arg4[%add3A_55, %dma_wait3A_63, %dma_wait3A_64] : memref<16384x200x64xf32, #tpu.memory_space<hbm>> -> memref<1x200x64xf32, #tpu.memory_space<hbm>>
    %dma_wait3A_66 = tpu.memref_squeeze %dma_wait3A_65 : memref<1x200x64xf32, #tpu.memory_space<hbm>> -> memref<200x64xf32, #tpu.memory_space<hbm>>
    %dma_wait3A_67 = arith.constant 400 : i32
    %dma_wait3A_68 = arith.constant 0 : i32
    %dma_wait3A_69 = tpu.memref_slice %arg7[%dma_wait3A_67, %dma_wait3A_68] : memref<800x64xf32, #tpu.memory_space<vmem>> -> memref<200x64xf32, #tpu.memory_space<vmem>>
    tpu.wait_dma2 semaphore(%arg11 : memref<!tpu.dma_semaphore, #tpu.memory_space<semaphore_mem>>) src(%dma_wait3A_69 : memref<200x64xf32, #tpu.memory_space<vmem>>) dst(%dma_wait3A_66 : memref<200x64xf32, #tpu.memory_space<hbm>>)
    %add3A_70 = arith.constant 3 : i32
    %add3A_71 = arith.addi %add3A_22, %add3A_70 : i32
    %dma_wait3A_72 = arith.constant 600 : i32
    %dma_wait3A_73 = arith.constant 0 : i32
    %dma_wait3A_74 = tpu.memref_slice %arg7[%dma_wait3A_72, %dma_wait3A_73] : memref<800x64xf32, #tpu.memory_space<vmem>> -> memref<200x64xf32, #tpu.memory_space<vmem>>
    %dma_wait3A_75 = arith.constant 0 : i32
    %dma_wait3A_76 = arith.constant 0 : i32
    %dma_wait3A_77 = tpu.memref_slice %arg4[%add3A_71, %dma_wait3A_75, %dma_wait3A_76] : memref<16384x200x64xf32, #tpu.memory_space<hbm>> -> memref<1x200x64xf32, #tpu.memory_space<hbm>>
    %dma_wait3A_78 = tpu.memref_squeeze %dma_wait3A_77 : memref<1x200x64xf32, #tpu.memory_space<hbm>> -> memref<200x64xf32, #tpu.memory_space<hbm>>
    %dma_wait3A_79 = arith.constant 0 : i32
    %dma_wait3A_80 = arith.constant 0 : i32
    %dma_wait3A_81 = tpu.memref_slice %arg4[%add3A_71, %dma_wait3A_79, %dma_wait3A_80] : memref<16384x200x64xf32, #tpu.memory_space<hbm>> -> memref<1x200x64xf32, #tpu.memory_space<hbm>>
    %dma_wait3A_82 = tpu.memref_squeeze %dma_wait3A_81 : memref<1x200x64xf32, #tpu.memory_space<hbm>> -> memref<200x64xf32, #tpu.memory_space<hbm>>
    %dma_wait3A_83 = arith.constant 600 : i32
    %dma_wait3A_84 = arith.constant 0 : i32
    %dma_wait3A_85 = tpu.memref_slice %arg7[%dma_wait3A_83, %dma_wait3A_84] : memref<800x64xf32, #tpu.memory_space<vmem>> -> memref<200x64xf32, #tpu.memory_space<vmem>>
    tpu.wait_dma2 semaphore(%arg11 : memref<!tpu.dma_semaphore, #tpu.memory_space<semaphore_mem>>) src(%dma_wait3A_85 : memref<200x64xf32, #tpu.memory_space<vmem>>) dst(%dma_wait3A_82 : memref<200x64xf32, #tpu.memory_space<hbm>>)
    %add3A_86 = arith.constant 508 : i32
    %add3A_87 = arith.addi %mul3A_2, %add3A_86 : i32
    %add3A_88 = arith.constant 0 : i32
    %add3A_89 = arith.addi %add3A_87, %add3A_88 : i32
    %dma_wait3A_90 = arith.constant 0 : i32
    %dma_wait3A_91 = arith.constant 0 : i32
    %dma_wait3A_92 = tpu.memref_slice %arg8[%dma_wait3A_90, %dma_wait3A_91] : memref<800x64xf32, #tpu.memory_space<vmem>> -> memref<200x64xf32, #tpu.memory_space<vmem>>
    %dma_wait3A_93 = arith.constant 0 : i32
    %dma_wait3A_94 = arith.constant 0 : i32
    %dma_wait3A_95 = tpu.memref_slice %arg4[%add3A_89, %dma_wait3A_93, %dma_wait3A_94] : memref<16384x200x64xf32, #tpu.memory_space<hbm>> -> memref<1x200x64xf32, #tpu.memory_space<hbm>>
    %dma_wait3A_96 = tpu.memref_squeeze %dma_wait3A_95 : memref<1x200x64xf32, #tpu.memory_space<hbm>> -> memref<200x64xf32, #tpu.memory_space<hbm>>
    %dma_wait3A_97 = arith.constant 0 : i32
    %dma_wait3A_98 = arith.constant 0 : i32
    %dma_wait3A_99 = tpu.memref_slice %arg4[%add3A_89, %dma_wait3A_97, %dma_wait3A_98] : memref<16384x200x64xf32, #tpu.memory_space<hbm>> -> memref<1x200x64xf32, #tpu.memory_space<hbm>>
    %dma_wait3A_100 = tpu.memref_squeeze %dma_wait3A_99 : memref<1x200x64xf32, #tpu.memory_space<hbm>> -> memref<200x64xf32, #tpu.memory_space<hbm>>
    %dma_wait3A_101 = arith.constant 0 : i32
    %dma_wait3A_102 = arith.constant 0 : i32
    %dma_wait3A_103 = tpu.memref_slice %arg8[%dma_wait3A_101, %dma_wait3A_102] : memref<800x64xf32, #tpu.memory_space<vmem>> -> memref<200x64xf32, #tpu.memory_space<vmem>>
    tpu.wait_dma2 semaphore(%arg12 : memref<!tpu.dma_semaphore, #tpu.memory_space<semaphore_mem>>) src(%dma_wait3A_103 : memref<200x64xf32, #tpu.memory_space<vmem>>) dst(%dma_wait3A_100 : memref<200x64xf32, #tpu.memory_space<hbm>>)
    %add3A_104 = arith.constant 1 : i32
    %add3A_105 = arith.addi %add3A_87, %add3A_104 : i32
    %dma_wait3A_106 = arith.constant 200 : i32
    %dma_wait3A_107 = arith.constant 0 : i32
    %dma_wait3A_108 = tpu.memref_slice %arg8[%dma_wait3A_106, %dma_wait3A_107] : memref<800x64xf32, #tpu.memory_space<vmem>> -> memref<200x64xf32, #tpu.memory_space<vmem>>
    %dma_wait3A_109 = arith.constant 0 : i32
    %dma_wait3A_110 = arith.constant 0 : i32
    %dma_wait3A_111 = tpu.memref_slice %arg4[%add3A_105, %dma_wait3A_109, %dma_wait3A_110] : memref<16384x200x64xf32, #tpu.memory_space<hbm>> -> memref<1x200x64xf32, #tpu.memory_space<hbm>>
    %dma_wait3A_112 = tpu.memref_squeeze %dma_wait3A_111 : memref<1x200x64xf32, #tpu.memory_space<hbm>> -> memref<200x64xf32, #tpu.memory_space<hbm>>
    %dma_wait3A_113 = arith.constant 0 : i32
    %dma_wait3A_114 = arith.constant 0 : i32
    %dma_wait3A_115 = tpu.memref_slice %arg4[%add3A_105, %dma_wait3A_113, %dma_wait3A_114] : memref<16384x200x64xf32, #tpu.memory_space<hbm>> -> memref<1x200x64xf32, #tpu.memory_space<hbm>>
    %dma_wait3A_116 = tpu.memref_squeeze %dma_wait3A_115 : memref<1x200x64xf32, #tpu.memory_space<hbm>> -> memref<200x64xf32, #tpu.memory_space<hbm>>
    %dma_wait3A_117 = arith.constant 200 : i32
    %dma_wait3A_118 = arith.constant 0 : i32
    %dma_wait3A_119 = tpu.memref_slice %arg8[%dma_wait3A_117, %dma_wait3A_118] : memref<800x64xf32, #tpu.memory_space<vmem>> -> memref<200x64xf32, #tpu.memory_space<vmem>>
    tpu.wait_dma2 semaphore(%arg12 : memref<!tpu.dma_semaphore, #tpu.memory_space<semaphore_mem>>) src(%dma_wait3A_119 : memref<200x64xf32, #tpu.memory_space<vmem>>) dst(%dma_wait3A_116 : memref<200x64xf32, #tpu.memory_space<hbm>>)
    %add3A_120 = arith.constant 2 : i32
    %add3A_121 = arith.addi %add3A_87, %add3A_120 : i32
    %dma_wait3A_122 = arith.constant 400 : i32
    %dma_wait3A_123 = arith.constant 0 : i32
    %dma_wait3A_124 = tpu.memref_slice %arg8[%dma_wait3A_122, %dma_wait3A_123] : memref<800x64xf32, #tpu.memory_space<vmem>> -> memref<200x64xf32, #tpu.memory_space<vmem>>
    %dma_wait3A_125 = arith.constant 0 : i32
    %dma_wait3A_126 = arith.constant 0 : i32
    %dma_wait3A_127 = tpu.memref_slice %arg4[%add3A_121, %dma_wait3A_125, %dma_wait3A_126] : memref<16384x200x64xf32, #tpu.memory_space<hbm>> -> memref<1x200x64xf32, #tpu.memory_space<hbm>>
    %dma_wait3A_128 = tpu.memref_squeeze %dma_wait3A_127 : memref<1x200x64xf32, #tpu.memory_space<hbm>> -> memref<200x64xf32, #tpu.memory_space<hbm>>
    %dma_wait3A_129 = arith.constant 0 : i32
    %dma_wait3A_130 = arith.constant 0 : i32
    %dma_wait3A_131 = tpu.memref_slice %arg4[%add3A_121, %dma_wait3A_129, %dma_wait3A_130] : memref<16384x200x64xf32, #tpu.memory_space<hbm>> -> memref<1x200x64xf32, #tpu.memory_space<hbm>>
    %dma_wait3A_132 = tpu.memref_squeeze %dma_wait3A_131 : memref<1x200x64xf32, #tpu.memory_space<hbm>> -> memref<200x64xf32, #tpu.memory_space<hbm>>
    %dma_wait3A_133 = arith.constant 400 : i32
    %dma_wait3A_134 = arith.constant 0 : i32
    %dma_wait3A_135 = tpu.memref_slice %arg8[%dma_wait3A_133, %dma_wait3A_134] : memref<800x64xf32, #tpu.memory_space<vmem>> -> memref<200x64xf32, #tpu.memory_space<vmem>>
    tpu.wait_dma2 semaphore(%arg12 : memref<!tpu.dma_semaphore, #tpu.memory_space<semaphore_mem>>) src(%dma_wait3A_135 : memref<200x64xf32, #tpu.memory_space<vmem>>) dst(%dma_wait3A_132 : memref<200x64xf32, #tpu.memory_space<hbm>>)
    %add3A_136 = arith.constant 3 : i32
    %add3A_137 = arith.addi %add3A_87, %add3A_136 : i32
    %dma_wait3A_138 = arith.constant 600 : i32
    %dma_wait3A_139 = arith.constant 0 : i32
    %dma_wait3A_140 = tpu.memref_slice %arg8[%dma_wait3A_138, %dma_wait3A_139] : memref<800x64xf32, #tpu.memory_space<vmem>> -> memref<200x64xf32, #tpu.memory_space<vmem>>
    %dma_wait3A_141 = arith.constant 0 : i32
    %dma_wait3A_142 = arith.constant 0 : i32
    %dma_wait3A_143 = tpu.memref_slice %arg4[%add3A_137, %dma_wait3A_141, %dma_wait3A_142] : memref<16384x200x64xf32, #tpu.memory_space<hbm>> -> memref<1x200x64xf32, #tpu.memory_space<hbm>>
    %dma_wait3A_144 = tpu.memref_squeeze %dma_wait3A_143 : memref<1x200x64xf32, #tpu.memory_space<hbm>> -> memref<200x64xf32, #tpu.memory_space<hbm>>
    %dma_wait3A_145 = arith.constant 0 : i32
    %dma_wait3A_146 = arith.constant 0 : i32
    %dma_wait3A_147 = tpu.memref_slice %arg4[%add3A_137, %dma_wait3A_145, %dma_wait3A_146] : memref<16384x200x64xf32, #tpu.memory_space<hbm>> -> memref<1x200x64xf32, #tpu.memory_space<hbm>>
    %dma_wait3A_148 = tpu.memref_squeeze %dma_wait3A_147 : memref<1x200x64xf32, #tpu.memory_space<hbm>> -> memref<200x64xf32, #tpu.memory_space<hbm>>
    %dma_wait3A_149 = arith.constant 600 : i32
    %dma_wait3A_150 = arith.constant 0 : i32
    %dma_wait3A_151 = tpu.memref_slice %arg8[%dma_wait3A_149, %dma_wait3A_150] : memref<800x64xf32, #tpu.memory_space<vmem>> -> memref<200x64xf32, #tpu.memory_space<vmem>>
    tpu.wait_dma2 semaphore(%arg12 : memref<!tpu.dma_semaphore, #tpu.memory_space<semaphore_mem>>) src(%dma_wait3A_151 : memref<200x64xf32, #tpu.memory_space<vmem>>) dst(%dma_wait3A_148 : memref<200x64xf32, #tpu.memory_space<hbm>>)
    return
  }
}

</mosaic_0001>

<sc_bundles>
// kernel: kernel.3.cloned.1.call-start
scs
__scs_entry_jumppad:
0x0: {  	(pc) =	sbr.rel $0x88, $3  }
0x1: {  	(tag) =	ssettag $0x0;
	lr =	simm.s32 $0x1  }
0x2: {  	[smem:$0x3F9F] =	sst lr;
	_ =	strace $0xD0000000  }
0x3: {  	_ = 	snop  }
0x4: {  	_ = 	snop  }
0x5: {  	_ = 	snop  }
0x6: {  	_ = 	snop  }
0x7: {  	_ = 	snop  }
__scs_overlays_trampoline_lowered:
0x8: {  	[smem:$0x3FAE] =	sst s0  }
0x9: {  	[smem:$0x3FAF] =	sst s1  }
0xa: {  	[smem:$0x3FB0] =	sst s2  }
0xb: {  	[smem:$0x3FB1] =	sst s3  }
0xc: {  	[smem:$0x3FB2] =	sst s4  }
0xd: {  	[smem:$0x3FB3] =	sst s5  }
0xe: {  	[smem:$0x3FB4] =	sst s6  }
0xf: {  	[smem:$0x3FB5] =	sst s7  }
0x10: {  	[smem:$0x3FB6] =	sst s8  }
0x11: {  	[smem:$0x3FB7] =	sst s9;
	s0 =	simm.s32 @!p0 $0x0  }
0x12: {  	s1 =	sld [smem:$0x3F9D];
	s0 =	simm.s32 @p0 $0x1  }
0x13: {  	[smem:$0x3FB8] =	sst s0;
	s0 =	simm.s32 @!p1 $0x0  }
0x14: {  	s2 =	sld [smem:$0x3F9C];
	s0 =	simm.s32 @p1 $0x1  }
0x15: {  	[smem:$0x3FB9] =	sst s0;
	s0 =	simm.s32 @!p2 $0x0  }
0x16: {  	s3 =	sld [smem:$0x3FDB];
	s0 =	simm.s32 @p2 $0x1  }
0x17: {  	s4 =	simm.s32 $0x1BF5;
	[smem:$0x3FBB] =	sst s0  }
0x18: {  	s0 =	sld [smem:$0x3F9E];
	_ =	swait.ge [sflag:s4], $0x0  }
0x19: {  	s7 =	sld [smem:$0x3F9F]  }
0x1a: {  	s8 =	sadd.s32 $0xFFFFE003, lr  }
0x1b: {  	s9 =	sadd.s32 $0xFFFFFEF7, lr;
	s5 =	simm.s32 $0xFFFFFFFF;
	p2 =	slt.u32 s8, $0xFFFFF086  }
0x1c: {  	p1 =	slt.u32 s9, $0xF7A;
	s5 =	simm.s32 @!p2 $0x0  }
0x1d: {  	s5 =	simm.s32 @p1 $0x1;
	p0 =	seq.s32 s7, s2  }
0x1e: {  	s7 =	smul.u32 @!p0 $0xF7A, s2;
	p2 =	seq.s32 @!p0 s5, $0x0  }
0x1f: {  	s9 =	smul.u32 $0xF7A, s1;
	s8 =	simm.s32 @!p0 $0x1BF5;
	p2 =	por !p2, p0  }
0x20: {  	[sflag:s8] =	ssyncset.s32 @!p0 $0xFFFFF086;
	s6 =	sadd.s32 @!p0 s3, s7;
	s7 =	simm.s32 @!p0 $0x108  }
0x21: {  	s3 =	sadd.s32 s3, s9;
	s6 =	sadd.s32 @!p0 $0x88, s6;
	s7 =	simm.s32 @p2 $0x1082  }
0x22: {  	[simem:s7], [sflag:s8] =	dma.local @!p0 [hbm:s6], $0xF7A  }
0x23: {  	s9 =	sor.u32 $0xD0000000, s2;
	s6 =	simm.s32 $0x108;
	_ =	swait.ge @!p0 [sflag:s8], $0x0  }
0x24: {  	s3 =	sadd.s32 $0x88, s3;
	s6 =	simm.s32 @!p1 $0x1082;
	[sflag:s4] =	ssyncset.s32 $0xFFFFF086  }
0x25: {  	[simem:s6], [sflag:s4] =	dma.local [hbm:s3], $0xF7A  }
0x26: {  	[smem:$0x3F9F] =	sst s1;
	(tag) =	ssettag s2;
	_ =	strace s9  }
0x27: {  	s1 =	sld [smem:$0x3FAF]  }
0x28: {  	s2 =	sld [smem:$0x3FB0]  }
0x29: {  	s4 =	sld [smem:$0x3FB2]  }
0x2a: {  	p0 =	seq.s32 s5, $0x0;
	s5 =	sld [smem:$0x3FB3]  }
0x2b: {  	s6 =	sld [smem:$0x3FB4]  }
0x2c: {  	s7 =	sld [smem:$0x3FB5]  }
0x2d: {  	s3 =	simm.s32 $0x108;
	s8 =	sld [smem:$0x3FB6]  }
0x2e: {  	s3 =	simm.s32 @!p0 $0x1082;
	s9 =	sld [smem:$0x3FB7]  }
0x2f: {  	lr =	sadd.s32 s0, s3;
	s0 =	sld [smem:$0x3FAE]  }
0x30: {  	s3 =	sld [smem:$0x3FB1]  }
0x31: {  	[smem:$0x3FBA] =	sst s10  }
0x32: {  	s10 =	sld [smem:$0x3FB8];
	_ =	sdelay $0x3  }
0x33: {  	p0 =	seq.s32 s10, $0x1;
	s10 =	sld [smem:$0x3FBA];
	_ =	sdelay $0x3  }
0x34: {  	[smem:$0x3FBA] =	sst s10  }
0x35: {  	s10 =	sld [smem:$0x3FB9];
	_ =	sdelay $0x3  }
0x36: {  	p1 =	seq.s32 s10, $0x1;
	s10 =	sld [smem:$0x3FBA];
	_ =	sdelay $0x3  }
0x37: {  	[smem:$0x3FBA] =	sst s10  }
0x38: {  	s10 =	sld [smem:$0x3FBB]  }
0x39: {  	_ = 	snop;
	(pc) =	sbr.ind lr, $3  }
0x3a: {  	_ = 	snop  }
0x3b: {  	_ = 	snop  }
0x3c: {  	p2 =	seq.s32 s10, $0x1;
	s10 =	sld [smem:$0x3FBA]  }
0x3d: {  	_ =	shalt  }
0x3e: {  	_ =	shalt  }
0x3f: {  	_ =	shalt  }
0x40: {  	_ =	shalt  }
0x41: {  	_ =	shalt  }
0x42: {  	_ =	shalt  }
0x43: {  	_ =	shalt  }
0x44: {  	_ =	shalt  }
0x45: {  	_ =	shalt  }
0x46: {  	_ =	shalt  }
0x47: {  	_ =	shalt  }
0x48: {  	_ =	shalt  }
0x49: {  	_ =	shalt  }
0x4a: {  	_ =	shalt  }
0x4b: {  	_ =	shalt  }
0x4c: {  	_ =	shalt  }
0x4d: {  	_ =	shalt  }
0x4e: {  	_ =	shalt  }
0x4f: {  	_ =	shalt  }
0x50: {  	_ =	shalt  }
0x51: {  	_ =	shalt  }
0x52: {  	_ =	shalt  }
0x53: {  	_ =	shalt  }
0x54: {  	_ =	shalt  }
0x55: {  	_ =	shalt  }
0x56: {  	_ =	shalt  }
0x57: {  	_ =	shalt  }
0x58: {  	_ =	shalt  }
0x59: {  	_ =	shalt  }
0x5a: {  	_ =	shalt  }
0x5b: {  	_ =	shalt  }
0x5c: {  	_ =	shalt  }
0x5d: {  	_ =	shalt  }
0x5e: {  	_ =	shalt  }
0x5f: {  	_ =	shalt  }
0x60: {  	_ =	shalt  }
0x61: {  	_ =	shalt  }
0x62: {  	_ =	shalt  }
0x63: {  	_ =	shalt  }
0x64: {  	_ =	shalt  }
0x65: {  	_ =	shalt  }
0x66: {  	_ =	shalt  }
0x67: {  	_ =	shalt  }
0x68: {  	_ =	shalt  }
0x69: {  	_ =	shalt  }
0x6a: {  	_ =	shalt  }
0x6b: {  	_ =	shalt  }
0x6c: {  	_ =	shalt  }
0x6d: {  	_ =	shalt  }
0x6e: {  	_ =	shalt  }
0x6f: {  	_ =	shalt  }
0x70: {  	_ =	shalt  }
0x71: {  	_ =	shalt  }
0x72: {  	_ =	shalt  }
0x73: {  	_ =	shalt  }
0x74: {  	_ =	shalt  }
0x75: {  	_ =	shalt  }
0x76: {  	_ =	shalt  }
0x77: {  	_ =	shalt  }
0x78: {  	_ =	shalt  }
0x79: {  	_ =	shalt  }
0x7a: {  	_ =	shalt  }
0x7b: {  	_ =	shalt  }
0x7c: {  	_ =	shalt  }
0x7d: {  	_ =	shalt  }
0x7e: {  	_ =	shalt  }
0x7f: {  	_ =	shalt  }
0x80: {  	_ =	shalt  }
0x81: {  	_ =	shalt  }
0x82: {  	_ =	shalt  }
0x83: {  	_ =	shalt  }
0x84: {  	_ =	shalt  }
0x85: {  	_ =	shalt  }
0x86: {  	_ =	shalt  }
0x87: {  	_ =	shalt  }
.Lfunc_end0:
.L_simem_size_0:
called_computation.1_lowered:
.L_overlay_start_0:
0x88: {  	s2 =	sld [smem:$0x3FD9]  }
0x89: {  	s3 =	sld [smem:$0x3FFE];
	_ =	sdelay $0x1  }
0x8a: {  	s1 =	srdreg.scid  }
0x8b: {  	s0 =	sand.u32 $0x1, s1  }
0x8c: {  	s17 =	sshll.u32 s0, $0xA;
	s2 =	sadd.s32 s3, s2  }
0x8d: {  	s2 =	sadd.s32 s2, s17  }
0x8e: {  	[smem:$0x3FC6] =	sst s2  }
0x8f: {  	_ = 	snop  }
0x90: {  	s2 =	sld [smem:$0x3FD0];
	(tm) =	ssettm $0x1  }
0x91: {  	s18 =	sld [smem:$0x3FFB];
	_ =	sdelay $0x3  }
0x92: {  	_ =	strace s18  }
0x93: {  	s3 =	sld [smem:$0x3FFC];
	_ =	sdelay $0x3  }
0x94: {  	_ =	strace s3  }
0x95: {  	s3 =	sld [smem:$0x3FFD];
	_ =	sdelay $0x3  }
0x96: {  	_ =	strace s3  }
0x97: {  	_ =	strace $0x8FFFFFFF  }
0x98: {  	s19 =	sld [smem:$0x3FDB];
	_ =	sdelay $0x1  }
0x99: {  	s4 =	simm.s32 $_scs_section_size  }
0x9a: {  	s5 =	simm.s32 $_size__tile_overlayer_lowered;
	s6 =	simm.s32 $_tile_overlayer_lowered  }
0x9b: {  	s22 =	simm.s32 $0x1BFF;
	s21 =	sshll.u32 s6, $0x1;
	s3 =	sadd.s32 s4, s19  }
0x9c: {  	s7 =	simm.s32 $0x0;
	s20 =	sshll.u32 s5, $0x1;
	s5 =	sadd.s32 s21, s3  }
0x9d: {  	[timem:s7], [sflag:s22] =	dma.local [hbm:s5], s20  }
0x9e: {  	_ =	swait.ge [sflag:s22], s20  }
0x9f: {  	s4 =	ssub.s32 $0x0, s20;
	[sflag:s22] =	ssyncset.done $0x0  }
0xa0: {  	[sflag:s22] =	ssyncadd.s32 s4;
	_ =	sdelay $0x1  }
0xa1: {  	s23 =	simm.s32 $0x1B8B  }
0xa2: {  	_ =	swait.ge [sflag:s23], $0x1  }
0xa3: {  	[sflag:s23] =	ssyncset.done $0x0  }
0xa4: {  	s25 =	simm.s32 $0x1B8E;
	s24 =	sld [smem:$0x3FFE];
	[sflag:s23] =	ssyncadd.s32 $0xFFFFFFFF  }
0xa5: {  	s26 =	simm.s32 $execute0_lowered;
	[smem:$0x3FD2] =	sst s25  }
0xa6: {  	s5 =	sshll.u32 s26, $0x1;
	_ =	strace $0x80000046;
	[dreg:$0x1] =	wrdreg $0xFFFFFFFF  }
0xa7: {  	s28 =	simm.s32 $_size_execute0_lowered;
	s3 =	sadd.s32 s3, s5;
	[dreg:$0x0] =	wrdreg $0x0  }
0xa8: {  	s5 =	sshll.u32 s28, $0x1;
	[dreg:$0x2] =	wrdreg s3  }
0xa9: {  	[dreg:$0x3] =	wrdreg s5  }
0xaa: {  	[dreg:$0x4] =	wrdreg $0xC0  }
0xab: {  	_ =	task [dreg:s7], $0x5FFFF  }
0xac: {  	[dreg:$0x1] =	wrdreg $0xFFFFFFFF  }
0xad: {  	[dreg:$0x0] =	wrdreg $0x60  }
0xae: {  	[dreg:$0x2] =	wrdreg s24  }
0xaf: {  	[dreg:$0x3] =	wrdreg s2  }
0xb0: {  	[dreg:$0x4] =	wrdreg $0x9  }
0xb1: {  	_ =	task.clear_ibuf [dreg:s7], $0x5FFFF;
	_ =	strace $0x90000046  }
0xb2: {  	s29 =	simm.s32 $0x9;
	_ =	strace $0x80000048  }
0xb3: {  	_ =	swait.ge [sflag:s29], $0x1  }
0xb4: {  	[sflag:s29] =	ssyncadd.s32 $0xFFFFFFFF  }
0xb5: {  	_ =	strace $0x90000048  }
0xb6: {  	_ =	sfence  }
0xb7: {  	s30 =	sld [smem:$0x0];
	_ =	sdelay $0x2  }
0xb8: {  	s31 =	sshll.u32 s1, $0xD;
	s1 =	sshrl.u32 s1, $0x2  }
0xb9: {  	s3 =	sand.u32 $0x4000, s31;
	s1 =	sadd.s32 s1, s30  }
0xba: {  	s0 =	sor.u32 s3, s0;
	s1 =	sshll.u32 s1, $0x11  }
0xbb: {  	s0 =	sor.u32 s1, s0  }
0xbc: {  	s0 =	sadd.s32 $0x8F2B, s0  }
0xbd: {  	[sflag:s0] =	ssyncadd.remote.s32 $0x1  }
0xbe: {  	_ =	sfence.sel $0xFFFF  }
0xbf: {  	[dreg:$0x0] =	wrdreg $0xFFFFFFFF;
	(pc) =	sbr.abs _section_cstart, $3  }
0xc0: {  	[dreg:$0x1] =	wrdreg $0xFFFFFFFF  }
0xc1: {  	_ =	task.clear_ibuf [dreg:s7], $0x2FFFF;
	_ =	strace $0x9FFFFFFF  }
0xc2: {  	(tm) =	ssettm $0x7FFFFFFF  }
0xc3: {  	_ =	shalt  }
tec
execute0_lowered:
.L_overlay_start_1:
0x0: {  	(tag) =	ssettag $0x1  }
0x1: {  	s1 =	rddreg [dreg:$0x0]  }
0x2: {  	s2 =	srdreg.scid;
	s0 =	stileid.u32  }
0x3: {  	s14 =	rddreg [dreg:$0x1];
	s6 =	smul.u32 $0xC80000, s0  }
0x4: {  	s16 =	simm.s32 $0x320;
	s17 =	simm.s32 $0x640;
	s19 =	smul.u32 $0x6400, s0  }
0x5: {  	s28 =	simm.s32 $0x3;
	s9 =	sand.u32 $0x1, s2;
	s22 =	smul.u32 $0x190000, s0  }
0x6: {  	s29 =	simm.s32 $0x4;
	s30 =	simm.s32 $0x0;
	s10 =	smul.u32 $0x640000, s9  }
0x7: {  	s3 =	sshll.u32 s0, $0x1;
	s2 =	simm.s32 $0x0;
	s11 =	smul.u32 $0x3200, s9  }
0x8: {  	s7 =	sadd.s32 $0x800, s1;
	s3 =	sor.u32 s9, s3;
	s13 =	smul.u32 $0xC8000, s9  }
0x9: {  	[smem:$0x7FF] =	sst s2;
	s5 =	ssub.s32 $0x2, s9;
	s4 =	smul.u32 $0x3200, s3  }
0xa: {  	_ =	strace $0x80000047;
	s8 =	sshrl.u32 s5, $0x1;
	s3 =	sadd.s32 $0x64800, s1  }
0xb: {  	s18 =	ssub.s32 s5, s8;
	s12 =	sadd.s32 s10, s6;
	s4 =	sadd.s32 s7, s4  }
0xc: {  	s7 =	sadd.s32 s19, s7;
	s20 =	sor.u32 $0x15E00, s12;
	s1 =	smax.u32 s18, $0x1  }
0xd: {  	s10 =	sor.u32 $0x12C00, s12;
	s23 =	sor.u32 $0xFA00, s12;
	s26 =	sor.u32 $0x9600, s12  }
0xe: {  	s31 =	sor.u32 $0x6400, s12;
	s12 =	sor.u32 $0x3200, s12;
	s18 =	simm.s32 $0xCE40  }
0xf: {  	s19 =	simm.s32 $0x1;
	[dreg:$0x3] =	wrdreg s4;
	s4 =	sadd.s32 $0x64, s4  }
0x10: {  	[dreg:$0x5] =	wrdreg s1;
	s21 =	sadd.s32 s11, s7;
	s8 =	sshrl.u32 s20, $0x3  }
0x11: {  	s24 =	sshrl.u32 s10, $0x3;
	s25 =	sshrl.u32 s23, $0x3;
	s1 =	sadd.s32 s22, s14  }
0x12: {  	s15 =	sshrl.u32 s12, $0x3;
	s20 =	simm.s32 $0x3840;
	s22 =	simm.s32 $0x9C40  }
0x13: {  	s23 =	simm.s32 $0x2;
	[dreg:$0x4] =	wrdreg s4;
	s7 =	sadd.s32 $0x12C, s21  }
.Ltmp0:
0x14: {  	s8 =	sadd.s32 s8, s14;
	s9 =	sadd.s32 s24, s14;
	(pc) =	sbr.rel .LBB2_1-.Ltmp0, $4  }
0x15: {  	s10 =	sadd.s32 s25, s14;
	s11 =	sadd.s32 s13, s1;
	s1 =	sshrl.u32 s26, $0x3  }
0x16: {  	s13 =	sshrl.u32 s31, $0x3;
	s21 =	simm.s32 $0x6A40;
	s24 =	simm.s32 $0x10040  }
0x17: {  	s25 =	simm.s32 $0x13240;
	s26 =	simm.s32 $0x16440;
	s12 =	sadd.s32 s1, s14  }
0x18: {  	s13 =	sadd.s32 s13, s14;
	s14 =	sadd.s32 s15, s14;
	s15 =	simm.s32 $0x5  }
.LBB2_4:
0x19: {  	_ =	swait.ge [sflag:s28], $0x3200  }
0x1a: {  	[sflag:s28] =	ssyncset.done $0x0  }
0x1b: {  	[sflag:s28] =	ssyncadd.s32 $0xFFFFCE00  }
0x1c: {  	_ =	swait.ge [sflag:s28], $0x3200  }
0x1d: {  	[sflag:s28] =	ssyncset.done $0x0  }
0x1e: {  	[sflag:s28] =	ssyncadd.s32 $0xFFFFCE00  }
0x1f: {  	_ =	swait.ge [sflag:s28], $0x3200  }
0x20: {  	[sflag:s28] =	ssyncset.done $0x0  }
0x21: {  	[sflag:s28] =	ssyncadd.s32 $0xFFFFCE00  }
0x22: {  	_ =	swait.ge [sflag:s28], $0x3200  }
0x23: {  	[sflag:s28] =	ssyncset.done $0x0  }
0x24: {  	[sflag:s28] =	ssyncadd.s32 $0xFFFFCE00  }
0x25: {  	_ =	swait.ge [sflag:s29], $0x3200  }
0x26: {  	[sflag:s29] =	ssyncset.done $0x0  }
0x27: {  	[sflag:s29] =	ssyncadd.s32 $0xFFFFCE00  }
0x28: {  	_ =	swait.ge [sflag:s29], $0x3200  }
0x29: {  	[sflag:s29] =	ssyncset.done $0x0  }
0x2a: {  	[sflag:s29] =	ssyncadd.s32 $0xFFFFCE00  }
0x2b: {  	_ =	swait.ge [sflag:s29], $0x3200  }
0x2c: {  	[sflag:s29] =	ssyncset.done $0x0  }
0x2d: {  	[sflag:s29] =	ssyncadd.s32 $0xFFFFCE00  }
0x2e: {  	_ =	swait.ge [sflag:s29], $0x3200  }
0x2f: {  	s30 =	sadd.s32 $0x1, s30;
	s0 =	rddreg [dreg:$0x5]  }
0x30: {  	p0 =	sne.s32 s30, s0  }
.Ltmp1:
0x31: {  	_ = 	snop;
	(pc) =	sbr.rel @!p0 .LBB2_5-.Ltmp1, $3  }
0x32: {  	_ =	sdelay $0x1  }
0x33: {  	[sflag:s29] =	ssyncset.done $0x0  }
0x34: {  	[sflag:s29] =	ssyncadd.s32 $0xFFFFCE00  }
.LBB2_1:
0x35: {  	s0 =	rddreg [dreg:$0x3]  }
0x36: {  	[tilespmem:s2], [sflag:$0x5] =	stream.linear.gather [hbm4b:s0+s2], $0x320, $0x38;
	[tilespmem:$0x19640] =	vst v63  }
0x37: {  	_ =	swait.ge [sflag:s15], $0x320  }
0x38: {  	[sflag:s15] =	ssyncset.done $0x0  }
0x39: {  	[sflag:s15] =	ssyncadd.s32 $0xFFFFFCE0  }
0x3a: {  	[tilespmem:s17], [sflag:$0x1] =	stream.indirect.gather [hbm4b:s3+s16], $0x40, s2, s16, $0xb8;
	[tilespmem:$0x19640] =	vst v63  }
0x3b: {  	s6 =	rddreg [dreg:$0x4]  }
0x3c: {  	[tilespmem:s16], [sflag:$0x5] =	stream.linear.gather [hbm4b:s6+s2], $0x320, $0x38;
	[tilespmem:$0x19640] =	vst v63  }
0x3d: {  	_ =	swait.ge [sflag:s15], $0x320  }
0x3e: {  	[sflag:s15] =	ssyncset.done $0x0  }
0x3f: {  	s31 =	smov.u32 s7;
	s1 =	simm.s32 $0x0;
	[sflag:s15] =	ssyncadd.s32 $0xFFFFFCE0  }
0x40: {  	[tilespmem:s18], [sflag:$0x2] =	stream.indirect.gather [hbm4b:s3+s16], $0x40, s16, s16, $0xb8;
	[tilespmem:$0x19640] =	vst v63  }
.LBB2_2:
0x41: {  	_ =	swait.ge [sflag:s19], $0xC800  }
0x42: {  	[sflag:s19] =	ssyncset.done $0x0  }
0x43: {  	s0 =	sadd.s32 s1, s11;
	[sflag:s19] =	ssyncadd.s32 $0xFFFF3800  }
0x44: {  	[hbm4b:s0+s2] =	stream.linear.scatter [tilespmem:s17], [sflag:$0x3], $0x3200, $0x38;
	[tilespmem:$0x19640] =	vst v63  }
0x45: {  	s5 =	sadd.s32 s1, s14  }
0x46: {  	[hbm4b:s5+s2] =	stream.linear.scatter [tilespmem:s20], [sflag:$0x3], $0x3200, $0x38;
	[tilespmem:$0x19640] =	vst v63  }
0x47: {  	s4 =	sadd.s32 s1, s13;
	p0 =	seq.s32 s1, $0xC4E00  }
0x48: {  	[hbm4b:s4+s2] =	stream.linear.scatter [tilespmem:s21], [sflag:$0x3], $0x3200, $0x38;
	[tilespmem:$0x19640] =	vst v63  }
0x49: {  	s6 =	sadd.s32 s1, s12;
	s5 =	simm.s32 @!p0 $0x3  }
0x4a: {  	[hbm4b:s6+s2] =	stream.linear.scatter [tilespmem:s22], [sflag:$0x3], $0x3200, $0x38;
	[tilespmem:$0x19640] =	vst v63  }
0x4b: {  	_ =	swait.ge @!p0 [sflag:s5], $0x3200  }
0x4c: {  	[sflag:s5] =	ssyncset.done @!p0 $0x0  }
0x4d: {  	[sflag:s5] =	ssyncadd.s32 @!p0 $0xFFFFCE00  }
0x4e: {  	_ =	swait.ge @!p0 [sflag:s5], $0x3200  }
0x4f: {  	[sflag:s5] =	ssyncset.done @!p0 $0x0  }
0x50: {  	[sflag:s5] =	ssyncadd.s32 @!p0 $0xFFFFCE00  }
0x51: {  	_ =	swait.ge @!p0 [sflag:s5], $0x3200  }
0x52: {  	[sflag:s5] =	ssyncset.done @!p0 $0x0  }
0x53: {  	[sflag:s5] =	ssyncadd.s32 @!p0 $0xFFFFCE00  }
0x54: {  	_ =	swait.ge @!p0 [sflag:s5], $0x3200  }
0x55: {  	[sflag:s5] =	ssyncset.done @!p0 $0x0  }
0x56: {  	s4 =	simm.s32 @!p0 $0x0;
	[sflag:s5] =	ssyncadd.s32 @!p0 $0xFFFFCE00;
	s5 =	sadd.s32 @!p0 $0xFFFFFF9C, s31  }
0x57: {  	[tilespmem:s4], [sflag:$0x5] =	stream.linear.gather @!p0 [hbm4b:s5+s4], $0x320, $0x38;
	[tilespmem:$0x19640] =	vst v63  }
0x58: {  	s5 =	simm.s32 @!p0 $0x5  }
0x59: {  	_ =	swait.ge @!p0 [sflag:s5], $0x320  }
0x5a: {  	[sflag:s5] =	ssyncset.done @!p0 $0x0  }
0x5b: {  	s6 =	simm.s32 @!p0 $0x640;
	[sflag:s5] =	ssyncadd.s32 @!p0 $0xFFFFFCE0;
	s5 =	simm.s32 @!p0 $0x320  }
0x5c: {  	[tilespmem:s6], [sflag:$0x1] =	stream.indirect.gather @!p0 [hbm4b:s3+s5], $0x40, s4, s5, $0xb8;
	[tilespmem:$0x19640] =	vst v63  }
0x5d: {  	_ =	swait.ge [sflag:s23], $0xC800  }
0x5e: {  	[sflag:s23] =	ssyncset.done $0x0  }
0x5f: {  	s0 =	sadd.s32 $0x1900, s0;
	[sflag:s23] =	ssyncadd.s32 $0xFFFF3800  }
0x60: {  	[hbm4b:s0+s2] =	stream.linear.scatter [tilespmem:s18], [sflag:$0x4], $0x3200, $0x38;
	[tilespmem:$0x19640] =	vst v63  }
0x61: {  	s4 =	sadd.s32 s1, s10  }
0x62: {  	[hbm4b:s4+s2] =	stream.linear.scatter [tilespmem:s24], [sflag:$0x4], $0x3200, $0x38;
	[tilespmem:$0x19640] =	vst v63  }
.Ltmp2:
0x63: {  	_ = 	snop;
	(pc) =	sbr.rel @p0 .LBB2_4-.Ltmp2, $4  }
0x64: {  	s5 =	sadd.s32 s1, s9  }
0x65: {  	[hbm4b:s5+s2] =	stream.linear.scatter [tilespmem:s25], [sflag:$0x4], $0x3200, $0x38;
	[tilespmem:$0x19640] =	vst v63  }
0x66: {  	s6 =	sadd.s32 s1, s8  }
0x67: {  	[hbm4b:s6+s2] =	stream.linear.scatter [tilespmem:s26], [sflag:$0x4], $0x3200, $0x38;
	[tilespmem:$0x19640] =	vst v63  }
0x68: {  	_ =	swait.ge [sflag:s29], $0x3200  }
0x69: {  	[sflag:s29] =	ssyncset.done $0x0  }
0x6a: {  	[sflag:s29] =	ssyncadd.s32 $0xFFFFCE00  }
0x6b: {  	_ =	swait.ge [sflag:s29], $0x3200  }
0x6c: {  	[sflag:s29] =	ssyncset.done $0x0  }
0x6d: {  	[sflag:s29] =	ssyncadd.s32 $0xFFFFCE00  }
0x6e: {  	_ =	swait.ge [sflag:s29], $0x3200  }
0x6f: {  	[sflag:s29] =	ssyncset.done $0x0  }
0x70: {  	[sflag:s29] =	ssyncadd.s32 $0xFFFFCE00  }
0x71: {  	_ =	swait.ge [sflag:s29], $0x3200  }
0x72: {  	[sflag:s29] =	ssyncset.done $0x0  }
0x73: {  	[sflag:s29] =	ssyncadd.s32 $0xFFFFCE00  }
0x74: {  	[tilespmem:s16], [sflag:$0x5] =	stream.linear.gather [hbm4b:s31+s2], $0x320, $0x38;
	[tilespmem:$0x19640] =	vst v63  }
.Ltmp3:
0x75: {  	_ = 	snop;
	(pc) =	sbr.rel .LBB2_2-.Ltmp3, $4  }
0x76: {  	_ =	swait.ge [sflag:s15], $0x320  }
0x77: {  	[sflag:s15] =	ssyncset.done $0x0  }
0x78: {  	s1 =	sadd.s32 $0x3200, s1;
	s31 =	sadd.s32 $0xC8, s31;
	[sflag:s15] =	ssyncadd.s32 $0xFFFFFCE0  }
0x79: {  	[tilespmem:s18], [sflag:$0x2] =	stream.indirect.gather [hbm4b:s3+s16], $0x40, s16, s16, $0xb8;
	[tilespmem:$0x19640] =	vst v63  }
.LBB2_5:
0x7a: {  	_ =	sfence.sel $0x180000  }
0x7b: {  	[bflag:$0x0] =	sbarrier.arrive $0xFFFF  }
0x7c: {  	_ =	strace $0x90000047  }
0x7d: {  	s0 =	stileid.u32;
	[bflag:$0x2] =	sbarrier.arrive $0xFFFF  }
0x7e: {  	p0 =	sne.s32 s0, $0x0;
	s0 =	rddreg [dreg:$0x2]  }
0x7f: {  	s0 =	sadd.s32 @!p0 $0x100000, s0  }
0x80: {  	[sflag:s0] =	ssyncadd.tile.s32 @!p0 $0x1;
	_ =	shalt  }
.Lfunc_end2:
_tile_overlayer_lowered:
.L_overlay_start_2:
0x81: {  	(tag) =	ssettag $0x2  }
0x82: {  	s0 =	rddreg [dreg:$0x0];
	s2 =	stileid.u32  }
0x83: {  	s1 =	rddreg [dreg:$0x1];
	p0 =	sne.s32 s2, $0x0  }
0x84: {  	s3 =	rddreg [dreg:$0x2];
	[bflag:$0x3] =	sbarrier.arrive $0xFFFF;
	s2 =	simm.s32 @!p0 $0x1C05  }
0x85: {  	[timem:s3], [sflag:s2] =	dma.local @!p0 [hbm:s0], s1  }
0x86: {  	s0 =	simm.s32 @!p0 $0x5  }
0x87: {  	_ =	swait.ge @!p0 [sflag:s0], s1  }
0x88: {  	s1 =	ssub.s32 @!p0 $0x0, s1;
	[sflag:s0] =	ssyncset.done @!p0 $0x0  }
0x89: {  	[sflag:s0] =	ssyncadd.s32 @!p0 s1  }
0x8a: {  	[bflag:$0x3] =	sbarrier.arrive $0xFFFF  }
0x8b: {  	_ =	shalt  }

// kernel: sparse-core-data-format-call.cloned.1.call-start
scs
called_computation_lowered:
.L_overlay_start_0:
0x0: {  	s2 =	sld [smem:$0x3FD9]  }
0x1: {  	s3 =	sld [smem:$0x3FFE];
	_ =	sdelay $0x1  }
0x2: {  	s1 =	srdreg.scid  }
0x3: {  	s0 =	sand.u32 $0x1, s1  }
0x4: {  	s18 =	sshll.u32 s0, $0xA;
	s2 =	sadd.s32 s3, s2  }
0x5: {  	s2 =	sadd.s32 s2, s18  }
0x6: {  	[smem:$0x3FC6] =	sst s2  }
0x7: {  	_ = 	snop  }
0x8: {  	s2 =	sld [smem:$0x3FD0];
	(tm) =	ssettm $0x1  }
0x9: {  	s19 =	sld [smem:$0x3FFB];
	_ =	sdelay $0x3  }
0xa: {  	_ =	strace s19  }
0xb: {  	s3 =	sld [smem:$0x3FFC];
	_ =	sdelay $0x3  }
0xc: {  	_ =	strace s3  }
0xd: {  	s3 =	sld [smem:$0x3FFD];
	_ =	sdelay $0x3  }
0xe: {  	_ =	strace s3  }
0xf: {  	_ =	strace $0x8FFFFFFF  }
0x10: {  	s20 =	sld [smem:$0x3FDB];
	_ =	sdelay $0x1  }
0x11: {  	s4 =	simm.s32 $_scs_section_size  }
0x12: {  	s5 =	simm.s32 $_size__tile_overlayer_lowered;
	s6 =	simm.s32 $_tile_overlayer_lowered  }
0x13: {  	s23 =	simm.s32 $0x1BFF;
	s22 =	sshll.u32 s6, $0x1;
	s3 =	sadd.s32 s4, s20  }
0x14: {  	s7 =	simm.s32 $0x0;
	s21 =	sshll.u32 s5, $0x1;
	s5 =	sadd.s32 s22, s3  }
0x15: {  	[timem:s7], [sflag:s23] =	dma.local [hbm:s5], s21  }
0x16: {  	_ =	swait.ge [sflag:s23], s21  }
0x17: {  	s4 =	ssub.s32 $0x0, s21;
	[sflag:s23] =	ssyncset.done $0x0  }
0x18: {  	[sflag:s23] =	ssyncadd.s32 s4;
	_ =	sdelay $0x1  }
0x19: {  	s24 =	simm.s32 $0x1B8B  }
0x1a: {  	_ =	swait.ge [sflag:s24], $0x1  }
0x1b: {  	[sflag:s24] =	ssyncset.done $0x0  }
0x1c: {  	s26 =	simm.s32 $0x1B8E;
	s25 =	sld [smem:$0x3FFE];
	[sflag:s24] =	ssyncadd.s32 $0xFFFFFFFF  }
0x1d: {  	s27 =	simm.s32 $execute0_lowered;
	[smem:$0x3FD2] =	sst s26  }
0x1e: {  	s5 =	sshll.u32 s27, $0x1;
	_ =	strace $0x80000049;
	[dreg:$0x1] =	wrdreg $0xFFFFFFFF  }
0x1f: {  	s28 =	simm.s32 $_size_execute0_lowered;
	s3 =	sadd.s32 s3, s5;
	[dreg:$0x0] =	wrdreg $0x0  }
0x20: {  	s5 =	sshll.u32 s28, $0x1;
	[dreg:$0x2] =	wrdreg s3  }
0x21: {  	[dreg:$0x3] =	wrdreg s5  }
0x22: {  	[dreg:$0x4] =	wrdreg $0xC0  }
0x23: {  	_ =	task [dreg:s7], $0x5FFFF  }
0x24: {  	[dreg:$0x1] =	wrdreg $0xFFFFFFFF  }
0x25: {  	[dreg:$0x0] =	wrdreg $0x60  }
0x26: {  	[dreg:$0x2] =	wrdreg s25  }
0x27: {  	[dreg:$0x3] =	wrdreg s2  }
0x28: {  	[dreg:$0x4] =	wrdreg $0x9  }
0x29: {  	_ =	task.clear_ibuf [dreg:s7], $0x5FFFF;
	_ =	strace $0x90000049  }
0x2a: {  	s29 =	simm.s32 $0x9;
	_ =	strace $0x8000004B  }
0x2b: {  	_ =	swait.ge [sflag:s29], $0x1  }
0x2c: {  	[sflag:s29] =	ssyncadd.s32 $0xFFFFFFFF  }
0x2d: {  	_ =	strace $0x9000004B  }
0x2e: {  	_ =	sfence  }
0x2f: {  	s30 =	sld [smem:$0x0];
	_ =	sdelay $0x2  }
0x30: {  	s31 =	sshll.u32 s1, $0xD;
	s1 =	sshrl.u32 s1, $0x2  }
0x31: {  	s3 =	sand.u32 $0x4000, s31;
	s1 =	sadd.s32 s1, s30  }
0x32: {  	s0 =	sor.u32 s3, s0;
	s1 =	sshll.u32 s1, $0x11  }
0x33: {  	s0 =	sor.u32 s1, s0  }
0x34: {  	s0 =	sadd.s32 $0x8F2B, s0  }
0x35: {  	[sflag:s0] =	ssyncadd.remote.s32 $0x1  }
0x36: {  	_ =	sfence.sel $0xFFFF  }
0x37: {  	[dreg:$0x0] =	wrdreg $0xFFFFFFFF;
	(pc) =	sbr.abs _section_cstart, $3  }
0x38: {  	[dreg:$0x1] =	wrdreg $0xFFFFFFFF  }
0x39: {  	_ =	task.clear_ibuf [dreg:s7], $0x2FFFF;
	_ =	strace $0x9FFFFFFF  }
0x3a: {  	(tm) =	ssettm $0x7FFFFFFF  }
0x3b: {  	_ =	shalt  }
tec
execute0_lowered:
.L_overlay_start_1:
0x0: {  	(tag) =	ssettag $0x1  }
0x1: {  	s0 =	srdreg.scid  }
0x2: {  	s1 =	sshll.u32 s0, $0x4  }
0x3: {  	s0 =	stileid.u32;
	s1 =	sand.u32 $0x10, s1  }
0x4: {  	s1 =	sor.u32 s0, s1  }
0x5: {  	s6 =	rddreg [dreg:$0x0];
	s4 =	simm.s32 $0x1;
	s2 =	sshll.u32 s1, $0x7  }
0x6: {  	s7 =	simm.s32 $0x2;
	s12 =	simm.s32 $0x0;
	s1 =	ssub.s32 $0x4000, s2  }
0x7: {  	s8 =	simm.s32 $0x20000;
	s13 =	simm.s32 $0x0;
	s3 =	sand.u32 $0xF80, s1  }
0x8: {  	s9 =	simm.s32 $0x0;
	s5 =	sshrl.u32 s1, $0xC;
	p0 =	sne.s32 s3, $0x0  }
.Ltmp0:
0x9: {  	s1 =	rddreg [dreg:$0x2];
	s4 =	simm.s32 @!p0 $0x0;
	(pc) =	sbr.rel .LBB1_1-.Ltmp0, $4  }
0xa: {  	s11 =	simm.s32 $0x0;
	s3 =	rddreg [dreg:$0x1];
	s5 =	sadd.s32 s4, s5  }
0xb: {  	_ =	strace $0x8000004A;
	s4 =	simm.s32 $0x1;
	s5 =	smul.u32 $0xC8, s5  }
0xc: {  	s6 =	sadd.s32 $0x800, s6;
	s10 =	smov.u32 s2;
	[sflag:s4] =	ssyncpa.u1 $0x0  }
0xd: {  	p0 =	por $0x0, $0x0;
	[sflag:s7] =	ssyncpa.u1 $0x0;
	s7 =	sor.u32 $0x1, s5  }
.LBB1_4:
0xe: {  	s16 =	sshll.u32 s13, $0x3;
	s17 =	sand.u32 $0x78, s13  }
0xf: {  	s30 =	sand.u32 $0x1F800, s13;
	s12 =	sshll.u32 s12, $0x11;
	s16 =	sand.u32 $0x3C00, s16  }
0x10: {  	[tilespmem:s15+$0x810 ss:$0x81] =	vst.msk $0xffff, v2;
	s31 =	sand.u32 $0x7, s13;
	s16 =	sor.u32 s17, s16;
	s17 =	sadd.s32 s3, s30  }
0x11: {  	[tilespmem:s15+$0x1020 ss:$0x81] =	vst.msk $0xffff, v0;
	s13 =	sshll.u32 s31, $0x12;
	s12 =	sadd.s32 s12, s17;
	s16 =	sshrl.u32 s16, $0x3  }
0x12: {  	[tilespmem:s15+$0x0 ss:$0x81] =	vst.msk $0xffff, v1;
	s13 =	sor.u32 $0x400, s13;
	s12 =	sadd.s32 s16, s12  }
0x13: {  	[hbm4b:s12+s13] =	stream.strided.scatter [tilespmem:s14], [sflag:$0x2], $0x2000, s8, s13, $0x20;
	[tilespmem:$0x8080] =	vst v63  }
.LBB1_5:
0x14: {  	s14 =	sadd.s32 $0x1, s9  }
0x15: {  	s12 =	sadd.s32 $0x1000, s10;
	s16 =	smov.u32 s10;
	p2 =	sgt.s32 s14, $0xC7  }
0x16: {  	s16 =	smov.u32 @p2 s12  }
0x17: {  	s14 =	simm.s32 @p2 $0x0;
	p2 =	sgt.s32 s16, $0x3FFF  }
0x18: {  	s16 =	smov.u32 @p2 s2;
	p2 =	sne.s32 s11, s7  }
.Ltmp1:
0x19: {  	p1 =	slt.u32 s11, $0x2;
	(pc) =	sbr.rel @!p2 .LBB1_6-.Ltmp1, $4  }
0x1a: {  	s15 =	simm.s32 @!p1 $0x2  }
0x1b: {  	s13 =	smov.u32 s10;
	p0 =	por !p0, !p0;
	_ =	swait.ge @!p1 [sflag:s15], $0x2000  }
0x1c: {  	s12 =	smov.u32 s9;
	[sflag:s15] =	ssyncset.done @!p1 $0x0;
	s9 =	smov.u32 s14  }
0x1d: {  	s11 =	sadd.s32 $0x1, s11;
	[sflag:s15] =	ssyncadd.s32 @!p1 $0xFFFFE000;
	s10 =	smov.u32 s16  }
.LBB1_1:
0x1e: {  	p1 =	sge.u32 s11, s5  }
0x1f: {  	s14 =	sand.u32 @!p1 $0x1FFFFFF, s9  }
0x20: {  	s15 =	smulhi.u32 @!p1 $0x147AE15, s14;
	_ =	sdelay $0x1  }
0x21: {  	s15 =	smul.u32 @!p1 $0xC8, s15  }
0x22: {  	s16 =	sxor.u32 @!p1 $0xFFFFFFFF, s11;
	s17 =	smul.u32 @!p1 $0xC80, s10  }
0x23: {  	s31 =	sadd.s32 $0xFFFFFFFF, s11;
	s16 =	sshll.u32 @!p1 s16, $0xD;
	s14 =	ssub.s32 @!p1 s14, s15  }
0x24: {  	s15 =	sand.u32 @!p1 $0x2000, s16;
	s16 =	sadd.s32 @!p1 s6, s17;
	s14 =	sshll.u32 @!p1 s14, $0x4  }
0x25: {  	s17 =	simm.s32 @!p1 $0x6400;
	s14 =	sadd.s32 @!p1 s14, s16;
	s16 =	simm.s32 @!p1 $0x40  }
0x26: {  	[tilespmem:s15], [sflag:$0x1] =	stream.strided.gather @!p1 [hbm4b:s14+s16], $0x2000, s17, s16, $0x38;
	[tilespmem:$0x8080] =	vst v63  }
0x27: {  	p1 =	sge.u32 s31, s5  }
.Ltmp2:
0x28: {  	_ = 	snop;
	(pc) =	sbr.rel @p1 .LBB1_5-.Ltmp2, $1  }
0x29: {  	_ =	sdelay $0x3  }
0x2a: {  	s14 =	simm.s32 $0x1  }
0x2b: {  	_ =	swait.ge [sflag:s4], $0x2000;
	s14 =	simm.s32 @!p0 $0x0  }
0x2c: {  	[sflag:s4] =	ssyncset.done $0x0;
	s15 =	sshll.u32 s14, $0xD  }
0x2d: {  	[sflag:s4] =	ssyncadd.s32 $0xFFFFE000;
	s18 =	sor.u32 $0x20, s15  }
0x2e: {  	s14 =	smul.u32 $0x8100, s14;
	v3 =	vld [tilespmem:s18+$0x10]  }
0x2f: {  	s30 =	sand.u32 $0x1, s11;
	v2 =	vld [tilespmem:s18+$0xFFFFFFF0]  }
0x30: {  	s15 =	smul.u32 $0x8100, s30;
	s14 =	sshrl.u32 s14, $0x2;
	v0 =	vld [tilespmem:s18+$0x0]  }
0x31: {  	v1 =	vld [tilespmem:s18+$0xFFFFFFE0];
	s16 =	sor.u32 $0x4000, s14  }
0x32: {  	s31 =	sshrl.u32 s15, $0x2;
	s15 =	sadd.s32 $0x0, s16  }
0x33: {  	s17 =	simm.s32 $0x4;
	s18 =	sadd.s32 $0x40, s18;
	s14 =	sor.u32 $0x4000, s31;
	[tilespmem:s15+$0x1830 ss:$0x81] =	vst.msk $0xffff, v3  }
.LBB1_3:
0x34: {  	v3 =	vld [tilespmem:s18+$0x10];
	p1 =	sne.s32 s17, $0x1FC;
	[tilespmem:s15+$0x810 ss:$0x81] =	vst.msk $0xffff, v2;
	s19 =	smov.u32 s17;
	s17 =	sadd.s32 $0x4, s17  }
.Ltmp3:
0x35: {  	v2 =	vld [tilespmem:s18+$0xFFFFFFF0];
	[tilespmem:s15+$0x1020 ss:$0x81] =	vst.msk $0xffff, v0;
	(pc) =	sbr.rel @p1 .LBB1_3-.Ltmp3, $4  }
0x36: {  	v0 =	vld [tilespmem:s18+$0x0];
	[tilespmem:s15+$0x0 ss:$0x81] =	vst.msk $0xffff, v1  }
0x37: {  	s15 =	sshra.s32 s19, $0x2;
	v1 =	vld [tilespmem:s18+$0xFFFFFFE0]  }
0x38: {  	s15 =	sadd.s32 s15, s16  }
0x39: {  	s18 =	sadd.s32 $0x40, s18;
	[tilespmem:s15+$0x1830 ss:$0x81] =	vst.msk $0xffff, v3  }
.Ltmp4:
0x3a: {  	_ = 	snop;
	(pc) =	sbr.rel .LBB1_4-.Ltmp4, $1  }
0x3b: {  	_ =	sdelay $0x3  }
.LBB1_6:
0x3c: {  	_ =	sfence.sel $0x180000  }
0x3d: {  	s2 =	simm.s32 $0x1;
	[bflag:$0x0] =	sbarrier.arrive $0xFFFF  }
0x3e: {  	s31 =	simm.s32 $0x2;
	[sflag:s2] =	ssyncpa.u1 $0x1  }
0x3f: {  	[sflag:s31] =	ssyncpa.u1 $0x1  }
0x40: {  	p0 =	sne.s32 s0, $0x0;
	_ =	strace $0x9000004A  }
0x41: {  	s0 =	sadd.s32 @!p0 $0x100000, s1;
	[bflag:$0x2] =	sbarrier.arrive $0xFFFF  }
0x42: {  	[sflag:s0] =	ssyncadd.tile.s32 @!p0 $0x1;
	_ =	shalt  }
.Lfunc_end1:
_tile_overlayer_lowered:
.L_overlay_start_2:
0x43: {  	(tag) =	ssettag $0x2  }
0x44: {  	s0 =	rddreg [dreg:$0x0];
	s2 =	stileid.u32  }
0x45: {  	s1 =	rddreg [dreg:$0x1];
	p0 =	sne.s32 s2, $0x0  }
0x46: {  	s3 =	rddreg [dreg:$0x2];
	[bflag:$0x3] =	sbarrier.arrive $0xFFFF;
	s2 =	simm.s32 @!p0 $0x1C01  }
0x47: {  	[timem:s3], [sflag:s2] =	dma.local @!p0 [hbm:s0], s1  }
0x48: {  	s0 =	simm.s32 @!p0 $0x1  }
0x49: {  	_ =	swait.ge @!p0 [sflag:s0], s1  }
0x4a: {  	s1 =	ssub.s32 @!p0 $0x0, s1;
	[sflag:s0] =	ssyncset.done @!p0 $0x0  }
0x4b: {  	[sflag:s0] =	ssyncadd.s32 @!p0 s1  }
0x4c: {  	[bflag:$0x3] =	sbarrier.arrive $0xFFFF  }
0x4d: {  	_ =	shalt  }

</sc_bundles>
